<compile_context>
chip_gen: v7x
topology: tpu7x:2x2x1
jax: 0.10.2.dev20260603
libtpu: 0.0.44.dev20260713+nightly
codegen_flags: <defaults>
</compile_context>

<pallas_src>
import jax
import jax.numpy as jnp
from jax import lax
from jax.experimental import pallas as pl
from jax.experimental.pallas import tpu as pltpu
from jax.experimental.pallas import tpu_sc as plsc
from functools import partial

N = 100000
D = 128
G = 1024
H1 = 256
H2 = 128

NC = 2
NS = 16
NW = NC * NS
BLK = 128
NBP = 32
NBUF = 4
NBLOCKS = 800
LASTFULL = N // BLK - 1
NREST = N - (LASTFULL + 1) * BLK
GROWS = G // NS

T = 36864
TBLK = T // BLK
NB = (NBLOCKS - TBLK) // NW
OWNER = (LASTFULL + 1 - TBLK) // NB
OWNIDX = LASTFULL + 1 - (TBLK + OWNER * NB)
CHUNK = 4096
TSTEPS = T // CHUNK
W = 128


def _sc_pool(x_hbm, idsp_hbm, out_hbm, rows_v, idx_v, acc_sh,
             d0, d1, d2, d3, s0, s1):
    c = lax.axis_index("c")
    s = lax.axis_index("s")
    w = c * NS + s

    dsems = (d0, d1, d2, d3)
    ssems = (s0, s1)

    zz = jnp.zeros((16,), jnp.float32)

    @pl.loop(0, GROWS)
    def _(r):
        @pl.loop(0, D, step=16)
        def _(j):
            rows_v[0, r, pl.ds(j, 16)] = zz

    pltpu.sync_copy(rows_v.at[0, pl.ds(0, GROWS)],
                    acc_sh.at[pl.ds(s * GROWS, GROWS)])
    plsc.subcore_barrier()

    pltpu.sync_copy(idsp_hbm.at[pl.ds(w * NBP, NBP)], idx_v)

    base = TBLK + w * NB

    def dma_issue(j):
        pltpu.async_copy(x_hbm.at[pl.ds((base + j) * BLK, BLK)],
                         rows_v.at[j % NBUF], dsems[j % NBUF])

    def dma_wait(j):
        pltpu.make_async_copy(x_hbm.at[pl.ds(0, BLK)],
                              rows_v.at[j % NBUF], dsems[j % NBUF]).wait()

    def sc_issue(j):
        pltpu.async_copy(rows_v.at[j % NBUF],
                         acc_sh.at[idx_v.at[j]], ssems[j % 2], add=True)

    def sc_wait(j):
        pltpu.make_async_copy(rows_v.at[j % NBUF],
                              acc_sh.at[idx_v.at[j]], ssems[j % 2]).wait()

    @pl.when(base <= LASTFULL)
    def _():
        dma_issue(0)

    @pl.when(base + 1 <= LASTFULL)
    def _():
        dma_issue(1)

    for i in range(NB):
        @pl.when(base + i <= LASTFULL)
        def _(i=i):
            dma_wait(i)
            sc_issue(i)
        if i >= 2:
            @pl.when(base + i - 2 <= LASTFULL)
            def _(i=i):
                sc_wait(i - 2)
        if i + 2 < NB:
            @pl.when(base + i + 2 <= LASTFULL)
            def _(i=i):
                dma_issue(i + 2)
    for j in (NB - 2, NB - 1):
        @pl.when(base + j <= LASTFULL)
        def _(j=j):
            sc_wait(j)

    @pl.when(w == OWNER)
    def _():
        @pl.loop(NREST, BLK)
        def _(r):
            @pl.loop(0, D, step=16)
            def _(j):
                rows_v[0, r, pl.ds(j, 16)] = zz

        pltpu.sync_copy(x_hbm.at[pl.ds((LASTFULL + 1) * BLK, NREST)],
                        rows_v.at[0, pl.ds(0, NREST)])
        pltpu.sync_copy(rows_v.at[0], acc_sh.at[idx_v.at[OWNIDX]], add=True)

    plsc.subcore_barrier()
    pltpu.sync_copy(acc_sh.at[pl.ds(s * GROWS, GROWS)],
                    out_hbm.at[c, pl.ds(s * GROWS, GROWS)])


def _tc_pool_kernel(x_ref, ids_ref, out_ref, acc_ref):
    i = pl.program_id(0)

    @pl.when(i == 0)
    def _():
        acc_ref[...] = jnp.zeros_like(acc_ref)

    ids = ids_ref[0, 0, :]
    x = x_ref[...].astype(jnp.bfloat16)

    base = ids_ref[0, 0, 0]
    win_iota = jax.lax.broadcasted_iota(jnp.int32, (W, CHUNK), 0) + base
    onehot_w = (win_iota == ids[None, :]).astype(jnp.bfloat16)
    acc_ref[pl.ds(base, W), :] += jnp.dot(
        onehot_w, x, preferred_element_type=jnp.float32)

    @pl.when(ids[CHUNK - 1] >= base + W)
    def _():
        seg_iota = jax.lax.broadcasted_iota(jnp.int32, (G, CHUNK), 0)
        onehot_f = ((seg_iota == ids[None, :])
                    & (ids[None, :] >= base + W)).astype(jnp.bfloat16)
        acc_ref[pl.ds(0, G), :] += jnp.dot(
            onehot_f, x, preferred_element_type=jnp.float32)

    @pl.when(i == TSTEPS - 1)
    def _():
        out_ref[...] = acc_ref[pl.ds(0, G), :]


def _mlp_kernel(p_ref, t_ref, w1_ref, b1_ref, w2_ref, b2_ref, w3_ref,
                b3_ref, out_ref):
    g = p_ref[0] + p_ref[1] + t_ref[...]
    h = jnp.maximum(
        jnp.dot(g, w1_ref[...], preferred_element_type=jnp.float32)
        + b1_ref[...], 0.0)
    h = jnp.maximum(
        jnp.dot(h, w2_ref[...], preferred_element_type=jnp.float32)
        + b2_ref[...], 0.0)
    out_ref[...] = (
        jnp.dot(h, w3_ref[...], preferred_element_type=jnp.float32)
        + b3_ref[...])


@jax.jit
def kernel(atom_feat, batch, W1, b1, W2, b2, W3, b3):
    ids = batch.astype(jnp.int32)
    idsp = jnp.pad(
        jnp.pad(ids[T:], (0, NBLOCKS * BLK - N)).reshape(NW, NB, BLK),
        ((0, 0), (0, NBP - NB), (0, 0))).reshape(NW * NBP, BLK)

    mesh = plsc.VectorSubcoreMesh(core_axis_name="c", subcore_axis_name="s")
    sc_pool = partial(
        pl.kernel,
        mesh=mesh,
        out_type=jax.ShapeDtypeStruct((NC, G, D), jnp.float32),
        scratch_types=[
            pltpu.VMEM((NBUF, BLK, D), jnp.float32),
            pltpu.VMEM((NBP, BLK), jnp.int32),
            pltpu.VMEM_SHARED((G, D), jnp.float32),
            pltpu.SemaphoreType.DMA,
            pltpu.SemaphoreType.DMA,
            pltpu.SemaphoreType.DMA,
            pltpu.SemaphoreType.DMA,
            pltpu.SemaphoreType.DMA,
            pltpu.SemaphoreType.DMA,
        ],
    )(_sc_pool)
    partials = sc_pool(atom_feat, idsp)

    ids3 = ids[:T].reshape(TSTEPS, 1, CHUNK)
    tc_part = pl.pallas_call(
        _tc_pool_kernel,
        grid=(TSTEPS,),
        in_specs=[
            pl.BlockSpec((CHUNK, D), lambda i: (i, 0)),
            pl.BlockSpec((1, 1, CHUNK), lambda i: (i, 0, 0)),
        ],
        out_specs=pl.BlockSpec((G, D), lambda i: (0, 0)),
        out_shape=jax.ShapeDtypeStruct((G, D), jnp.float32),
        scratch_shapes=[pltpu.VMEM((G + W, D), jnp.float32)],
        compiler_params=pltpu.CompilerParams(
            dimension_semantics=("arbitrary",)),
    )(atom_feat, ids3)

    out = pl.pallas_call(
        _mlp_kernel,
        out_shape=jax.ShapeDtypeStruct((G, 1), jnp.float32),
    )(partials, tc_part, W1, b1.reshape(1, H1), W2, b2.reshape(1, H2),
      W3, b3.reshape(1, 1))
    return out

# --- scband reference (transcript-rebuilt; emitter-appended) ---
"""Pipeline reference for scband-output-layer-54889682043683 (READ-ONLY COPY).

The authoritative reference and input builder live on the scoring server;
editing this copy changes nothing except your own understanding.
"""

import jax, jax.numpy as jnp
import numpy as np

N = 100000
D = 128
G = 1024
H1 = 256
H2 = 128

def setup_inputs(seed: int = 0) -> dict:
    key = jax.random.key(seed)
    k1, k2, k3, k4, k5 = jax.random.split(key, 5)
    atom_feat = jax.random.normal(k1, (N, D), dtype=jnp.float32)
    batch = jnp.sort(jax.random.randint(k2, (N,), 0, G)).astype(jnp.int64)
    W1 = jax.random.normal(k3, (D, H1), dtype=jnp.float32) * 0.05
    b1 = jnp.zeros((H1,), dtype=jnp.float32)
    W2 = jax.random.normal(k4, (H1, H2), dtype=jnp.float32) * 0.05
    b2 = jnp.zeros((H2,), dtype=jnp.float32)
    W3 = jax.random.normal(k5, (H2, 1), dtype=jnp.float32) * 0.05
    b3 = jnp.zeros((1,), dtype=jnp.float32)
    return {"atom_feat": atom_feat, "batch": batch, "W1": W1, "b1": b1, "W2": W2, "b2": b2, "W3": W3, "b3": b3}

def reference(atom_feat, batch, W1, b1, W2, b2, W3, b3):
    # global_add_pool: segment-sum node features into per-graph features
    graph_feat = jax.ops.segment_sum(atom_feat, batch, num_segments=G)
    # MLP with ReLU activations (DenseLayer)
    h = jax.nn.relu(graph_feat @ W1 + b1)
    h = jax.nn.relu(h @ W2 + b2)
    # final linear output layer
    out = h @ W3 + b3
    return out

if __name__ == "__main__":
    import jax
    _d = setup_inputs()
    print(jax.jit(kernel)(*tuple(_d.values())))

</pallas_src>

<mosaic_0001>
#map = affine_map<(d0, d1) -> (0, 0)>
#map1 = affine_map<(d0, d1) -> (0, 0, 0)>
module attributes {stable_mosaic.version = 14 : i64} {
  func.func @_sc_pool(%arg0: i32, %arg1: i32, %arg2: memref<100000x128xf32, #tpu.memory_space<hbm>>, %arg3: memref<1024x128xi32, #tpu.memory_space<hbm>>, %arg4: memref<2x1024x128xf32, #tpu.memory_space<hbm>>, %arg5: memref<4x128x128xf32, #tpu.memory_space<vmem>>, %arg6: memref<32x128xi32, #tpu.memory_space<vmem>>, %arg7: memref<1024x128xf32, #tpu.memory_space<vmem_shared>>, %arg8: memref<!tpu.dma_semaphore, #tpu.memory_space<semaphore_mem>>, %arg9: memref<!tpu.dma_semaphore, #tpu.memory_space<semaphore_mem>>, %arg10: memref<!tpu.dma_semaphore, #tpu.memory_space<semaphore_mem>>, %arg11: memref<!tpu.dma_semaphore, #tpu.memory_space<semaphore_mem>>, %arg12: memref<!tpu.dma_semaphore, #tpu.memory_space<semaphore_mem>>, %arg13: memref<!tpu.dma_semaphore, #tpu.memory_space<semaphore_mem>>) attributes {dimension_semantics = [#tpu.dimension_semantics<core_parallel>, #tpu.dimension_semantics<subcore_parallel>], iteration_bounds = array<i64: 2, 16>, scalar_prefetch = 0 : i64, scratch_operands = 9 : i64, tpu.core_type = #tpu.core_type<sc_vector_subcore>, window_params = [{transform_indices = #map}, {transform_indices = #map}, {transform_indices = #map1}]} {
    %mul3A = arith.constant 16 : i32
    %mul3A_0 = arith.muli %arg0, %mul3A : i32
    %add3A = arith.addi %mul3A_0, %arg1 : i32
    %broadcast_in_dim3A = arith.constant 0.000000e+00 : f32
    %broadcast_in_dim3A_1 = vector.broadcast %broadcast_in_dim3A : f32 to vector<16xf32>
    %scan3A = arith.constant 0 : i32
    %scan3A_2 = arith.constant 64 : i32
    %scan3A_3 = arith.addi %scan3A, %scan3A_2 : i32
    %scan3A_4 = arith.constant 1 : i32
    scf.for %scan3A_409 = %scan3A to %scan3A_3 step %scan3A_4  : i32 {
      %mul3A_410 = arith.constant 1 : i32
      %mul3A_411 = arith.muli %scan3A_409, %mul3A_410 : i32
      %add3A_412 = arith.constant 0 : i32
      %add3A_413 = arith.addi %add3A_412, %mul3A_411 : i32
      %scan3A_414 = arith.constant 0 : i32
      %scan3A_415 = arith.constant 8 : i32
      %scan3A_416 = arith.addi %scan3A_414, %scan3A_415 : i32
      %scan3A_417 = arith.constant 1 : i32
      scf.for %scan3A_419 = %scan3A_414 to %scan3A_416 step %scan3A_417  : i32 {
        %mul3A_420 = arith.constant 16 : i32
        %mul3A_421 = arith.muli %scan3A_419, %mul3A_420 : i32
        %add3A_422 = arith.constant 0 : i32
        %add3A_423 = arith.addi %add3A_422, %mul3A_421 : i32
        %swap3A = arith.constant 0 : i32
        %swap3A_424 = arith.index_cast %swap3A : i32 to index
        %swap3A_425 = arith.index_cast %add3A_413 : i32 to index
        %swap3A_426 = arith.index_cast %add3A_423 : i32 to index
        %swap3A_427 = tpu.vector_load %arg5[%swap3A_424, %swap3A_425, %swap3A_426] {strides = array<i32>} : memref<4x128x128xf32, #tpu.memory_space<vmem>>, vector<1x1x16xf32>,
        %swap3A_428 = vector.shape_cast %swap3A_427 : vector<1x1x16xf32> to vector<16xf32>
        %swap3A_429 = vector.shape_cast %broadcast_in_dim3A_1 : vector<16xf32> to vector<1x1x16xf32>
        tpu.vector_store %arg5[%swap3A_424, %swap3A_425, %swap3A_426], %swap3A_429 {strides = array<i32>} : memref<4x128x128xf32, #tpu.memory_space<vmem>>, vector<1x1x16xf32>,
      }
      %scan3A_418 = arith.constant 8 : i32
    }
    %scan3A_5 = arith.constant 64 : i32
    %mul3A_6 = arith.constant 64 : i32
    %mul3A_7 = arith.muli %arg1, %mul3A_6 : i32
    %run_scoped3A = arith.constant 0 : i32
    "tpu.region"() ({
      %run_scoped3A_409 = tpu.sem_alloc : memref<!tpu.dma_semaphore, #tpu.memory_space<semaphore_mem>>
      %dma_start3A = arith.constant 0 : i32
      %dma_start3A_410 = arith.constant 0 : i32
      %dma_start3A_411 = tpu.memref_slice %arg5[%run_scoped3A, %dma_start3A, %dma_start3A_410] : memref<4x128x128xf32, #tpu.memory_space<vmem>> -> memref<1x64x128xf32, #tpu.memory_space<vmem>>
      %dma_start3A_412 = tpu.memref_squeeze %dma_start3A_411 : memref<1x64x128xf32, #tpu.memory_space<vmem>> -> memref<64x128xf32, #tpu.memory_space<vmem>>
      %dma_start3A_413 = arith.constant 0 : i32
      %dma_start3A_414 = tpu.memref_slice %arg7[%mul3A_7, %dma_start3A_413] : memref<1024x128xf32, #tpu.memory_space<vmem_shared>> -> memref<64x128xf32, #tpu.memory_space<vmem_shared>>
      %dma_start3A_415 = arith.constant 0 : i32
      %dma_start3A_416 = tpu.memref_slice %arg7[%mul3A_7, %dma_start3A_415] : memref<1024x128xf32, #tpu.memory_space<vmem_shared>> -> memref<64x128xf32, #tpu.memory_space<vmem_shared>>
      %dma_start3A_417 = arith.constant 0 : i32
      %dma_start3A_418 = arith.constant 0 : i32
      %dma_start3A_419 = tpu.memref_slice %arg5[%run_scoped3A, %dma_start3A_417, %dma_start3A_418] : memref<4x128x128xf32, #tpu.memory_space<vmem>> -> memref<1x64x128xf32, #tpu.memory_space<vmem>>
      %dma_start3A_420 = tpu.memref_squeeze %dma_start3A_419 : memref<1x64x128xf32, #tpu.memory_space<vmem>> -> memref<64x128xf32, #tpu.memory_space<vmem>>
      tpu.enqueue_dma source(%dma_start3A_420 : memref<64x128xf32, #tpu.memory_space<vmem>>) target(%dma_start3A_416 : memref<64x128xf32, #tpu.memory_space<vmem_shared>>) target_semaphore(%run_scoped3A_409 : memref<!tpu.dma_semaphore, #tpu.memory_space<semaphore_mem>>)
      %dma_wait3A = arith.constant 0 : i32
      %dma_wait3A_421 = arith.constant 0 : i32
      %dma_wait3A_422 = tpu.memref_slice %arg5[%run_scoped3A, %dma_wait3A, %dma_wait3A_421] : memref<4x128x128xf32, #tpu.memory_space<vmem>> -> memref<1x64x128xf32, #tpu.memory_space<vmem>>
      %dma_wait3A_423 = tpu.memref_squeeze %dma_wait3A_422 : memref<1x64x128xf32, #tpu.memory_space<vmem>> -> memref<64x128xf32, #tpu.memory_space<vmem>>
      %dma_wait3A_424 = arith.constant 0 : i32
      %dma_wait3A_425 = tpu.memref_slice %arg7[%mul3A_7, %dma_wait3A_424] : memref<1024x128xf32, #tpu.memory_space<vmem_shared>> -> memref<64x128xf32, #tpu.memory_space<vmem_shared>>
      %dma_wait3A_426 = arith.constant 0 : i32
      %dma_wait3A_427 = tpu.memref_slice %arg7[%mul3A_7, %dma_wait3A_426] : memref<1024x128xf32, #tpu.memory_space<vmem_shared>> -> memref<64x128xf32, #tpu.memory_space<vmem_shared>>
      %dma_wait3A_428 = arith.constant 0 : i32
      %dma_wait3A_429 = arith.constant 0 : i32
      %dma_wait3A_430 = tpu.memref_slice %arg5[%run_scoped3A, %dma_wait3A_428, %dma_wait3A_429] : memref<4x128x128xf32, #tpu.memory_space<vmem>> -> memref<1x64x128xf32, #tpu.memory_space<vmem>>
      %dma_wait3A_431 = tpu.memref_squeeze %dma_wait3A_430 : memref<1x64x128xf32, #tpu.memory_space<vmem>> -> memref<64x128xf32, #tpu.memory_space<vmem>>
      tpu.wait_dma2 semaphore(%run_scoped3A_409 : memref<!tpu.dma_semaphore, #tpu.memory_space<semaphore_mem>>) src(%dma_wait3A_431 : memref<64x128xf32, #tpu.memory_space<vmem>>) dst(%dma_wait3A_427 : memref<64x128xf32, #tpu.memory_space<vmem_shared>>)
      tpu.yield
    }) : () -> ()
    %barrier3A = arith.constant 0 : index
    tpu.barrier barrier_id(%barrier3A)
    %mul3A_8 = arith.constant 32 : i32
    %mul3A_9 = arith.muli %add3A, %mul3A_8 : i32
    "tpu.region"() ({
      %run_scoped3A_409 = tpu.sem_alloc : memref<!tpu.dma_semaphore, #tpu.memory_space<semaphore_mem>>
      %dma_start3A = arith.constant 0 : i32
      %dma_start3A_410 = tpu.memref_slice %arg3[%mul3A_9, %dma_start3A] : memref<1024x128xi32, #tpu.memory_space<hbm>> -> memref<32x128xi32, #tpu.memory_space<hbm>>
      %dma_start3A_411 = arith.constant 0 : i32
      %dma_start3A_412 = tpu.memref_slice %arg3[%mul3A_9, %dma_start3A_411] : memref<1024x128xi32, #tpu.memory_space<hbm>> -> memref<32x128xi32, #tpu.memory_space<hbm>>
      tpu.enqueue_dma source(%dma_start3A_412 : memref<32x128xi32, #tpu.memory_space<hbm>>) target(%arg6 : memref<32x128xi32, #tpu.memory_space<vmem>>) target_semaphore(%run_scoped3A_409 : memref<!tpu.dma_semaphore, #tpu.memory_space<semaphore_mem>>)
      %dma_wait3A = arith.constant 0 : i32
      %dma_wait3A_413 = tpu.memref_slice %arg3[%mul3A_9, %dma_wait3A] : memref<1024x128xi32, #tpu.memory_space<hbm>> -> memref<32x128xi32, #tpu.memory_space<hbm>>
      %dma_wait3A_414 = arith.constant 0 : i32
      %dma_wait3A_415 = tpu.memref_slice %arg3[%mul3A_9, %dma_wait3A_414] : memref<1024x128xi32, #tpu.memory_space<hbm>> -> memref<32x128xi32, #tpu.memory_space<hbm>>
      tpu.wait_dma2 semaphore(%run_scoped3A_409 : memref<!tpu.dma_semaphore, #tpu.memory_space<semaphore_mem>>) src(%dma_wait3A_415 : memref<32x128xi32, #tpu.memory_space<hbm>>) dst(%arg6 : memref<32x128xi32, #tpu.memory_space<vmem>>)
      tpu.yield
    }) : () -> ()
    %mul3A_10 = arith.constant 16 : i32
    %mul3A_11 = arith.muli %add3A, %mul3A_10 : i32
    %add3A_12 = arith.constant 288 : i32
    %add3A_13 = arith.addi %add3A_12, %mul3A_11 : i32
    %le3A = arith.constant 780 : i32
    %le3A_14 = arith.cmpi sle, %add3A_13, %le3A : i32
    %convert_element_type3A = arith.extui %le3A_14 : i1 to i32
    %cond3A = arith.constant 0 : i32
    %cond3A_15 = arith.cmpi ne, %convert_element_type3A, %cond3A : i32
    scf.if %cond3A_15 {
      %add3A_409 = arith.constant 0 : i32
      %add3A_410 = arith.addi %add3A_13, %add3A_409 : i32
      %mul3A_411 = arith.constant 128 : i32
      %mul3A_412 = arith.muli %add3A_410, %mul3A_411 : i32
      %dma_start3A = arith.constant 0 : i32
      %dma_start3A_413 = arith.constant 0 : i32
      %dma_start3A_414 = arith.constant 0 : i32
      %dma_start3A_415 = tpu.memref_slice %arg5[%dma_start3A, %dma_start3A_413, %dma_start3A_414] : memref<4x128x128xf32, #tpu.memory_space<vmem>> -> memref<1x128x128xf32, #tpu.memory_space<vmem>>
      %dma_start3A_416 = tpu.memref_squeeze %dma_start3A_415 : memref<1x128x128xf32, #tpu.memory_space<vmem>> -> memref<128x128xf32, #tpu.memory_space<vmem>>
      %dma_start3A_417 = arith.constant 0 : i32
      %dma_start3A_418 = tpu.memref_slice %arg2[%mul3A_412, %dma_start3A_417] : memref<100000x128xf32, #tpu.memory_space<hbm>> -> memref<128x128xf32, #tpu.memory_space<hbm>>
      %dma_start3A_419 = arith.constant 0 : i32
      %dma_start3A_420 = arith.constant 0 : i32
      %dma_start3A_421 = tpu.memref_slice %arg5[%dma_start3A, %dma_start3A_419, %dma_start3A_420] : memref<4x128x128xf32, #tpu.memory_space<vmem>> -> memref<1x128x128xf32, #tpu.memory_space<vmem>>
      %dma_start3A_422 = tpu.memref_squeeze %dma_start3A_421 : memref<1x128x128xf32, #tpu.memory_space<vmem>> -> memref<128x128xf32, #tpu.memory_space<vmem>>
      %dma_start3A_423 = arith.constant 0 : i32
      %dma_start3A_424 = tpu.memref_slice %arg2[%mul3A_412, %dma_start3A_423] : memref<100000x128xf32, #tpu.memory_space<hbm>> -> memref<128x128xf32, #tpu.memory_space<hbm>>
      tpu.enqueue_dma source(%dma_start3A_424 : memref<128x128xf32, #tpu.memory_space<hbm>>) target(%dma_start3A_422 : memref<128x128xf32, #tpu.memory_space<vmem>>) target_semaphore(%arg8 : memref<!tpu.dma_semaphore, #tpu.memory_space<semaphore_mem>>)
    } else {
    }
    %add3A_16 = arith.constant 1 : i32
    %add3A_17 = arith.addi %add3A_13, %add3A_16 : i32
    %le3A_18 = arith.constant 780 : i32
    %le3A_19 = arith.cmpi sle, %add3A_17, %le3A_18 : i32
    %convert_element_type3A_20 = arith.extui %le3A_19 : i1 to i32
    %cond3A_21 = arith.constant 0 : i32
    %cond3A_22 = arith.cmpi ne, %convert_element_type3A_20, %cond3A_21 : i32
    scf.if %cond3A_22 {
      %add3A_409 = arith.constant 1 : i32
      %add3A_410 = arith.addi %add3A_13, %add3A_409 : i32
      %mul3A_411 = arith.constant 128 : i32
      %mul3A_412 = arith.muli %add3A_410, %mul3A_411 : i32
      %dma_start3A = arith.constant 1 : i32
      %dma_start3A_413 = arith.constant 0 : i32
      %dma_start3A_414 = arith.constant 0 : i32
      %dma_start3A_415 = tpu.memref_slice %arg5[%dma_start3A, %dma_start3A_413, %dma_start3A_414] : memref<4x128x128xf32, #tpu.memory_space<vmem>> -> memref<1x128x128xf32, #tpu.memory_space<vmem>>
      %dma_start3A_416 = tpu.memref_squeeze %dma_start3A_415 : memref<1x128x128xf32, #tpu.memory_space<vmem>> -> memref<128x128xf32, #tpu.memory_space<vmem>>
      %dma_start3A_417 = arith.constant 0 : i32
      %dma_start3A_418 = tpu.memref_slice %arg2[%mul3A_412, %dma_start3A_417] : memref<100000x128xf32, #tpu.memory_space<hbm>> -> memref<128x128xf32, #tpu.memory_space<hbm>>
      %dma_start3A_419 = arith.constant 0 : i32
      %dma_start3A_420 = arith.constant 0 : i32
      %dma_start3A_421 = tpu.memref_slice %arg5[%dma_start3A, %dma_start3A_419, %dma_start3A_420] : memref<4x128x128xf32, #tpu.memory_space<vmem>> -> memref<1x128x128xf32, #tpu.memory_space<vmem>>
      %dma_start3A_422 = tpu.memref_squeeze %dma_start3A_421 : memref<1x128x128xf32, #tpu.memory_space<vmem>> -> memref<128x128xf32, #tpu.memory_space<vmem>>
      %dma_start3A_423 = arith.constant 0 : i32
      %dma_start3A_424 = tpu.memref_slice %arg2[%mul3A_412, %dma_start3A_423] : memref<100000x128xf32, #tpu.memory_space<hbm>> -> memref<128x128xf32, #tpu.memory_space<hbm>>
      tpu.enqueue_dma source(%dma_start3A_424 : memref<128x128xf32, #tpu.memory_space<hbm>>) target(%dma_start3A_422 : memref<128x128xf32, #tpu.memory_space<vmem>>) target_semaphore(%arg9 : memref<!tpu.dma_semaphore, #tpu.memory_space<semaphore_mem>>)
    } else {
    }
    %add3A_23 = arith.constant 0 : i32
    %add3A_24 = arith.addi %add3A_13, %add3A_23 : i32
    %le3A_25 = arith.constant 780 : i32
    %le3A_26 = arith.cmpi sle, %add3A_24, %le3A_25 : i32
    %convert_element_type3A_27 = arith.extui %le3A_26 : i1 to i32
    %cond3A_28 = arith.constant 0 : i32
    %cond3A_29 = arith.cmpi ne, %convert_element_type3A_27, %cond3A_28 : i32
    scf.if %cond3A_29 {
      %dma_wait3A = arith.constant 0 : i32
      %dma_wait3A_409 = arith.constant 0 : i32
      %dma_wait3A_410 = arith.constant 0 : i32
      %dma_wait3A_411 = tpu.memref_slice %arg5[%dma_wait3A, %dma_wait3A_409, %dma_wait3A_410] : memref<4x128x128xf32, #tpu.memory_space<vmem>> -> memref<1x128x128xf32, #tpu.memory_space<vmem>>
      %dma_wait3A_412 = tpu.memref_squeeze %dma_wait3A_411 : memref<1x128x128xf32, #tpu.memory_space<vmem>> -> memref<128x128xf32, #tpu.memory_space<vmem>>
      %dma_wait3A_413 = arith.constant 0 : i32
      %dma_wait3A_414 = arith.constant 0 : i32
      %dma_wait3A_415 = tpu.memref_slice %arg2[%dma_wait3A_413, %dma_wait3A_414] : memref<100000x128xf32, #tpu.memory_space<hbm>> -> memref<128x128xf32, #tpu.memory_space<hbm>>
      %dma_wait3A_416 = arith.constant 0 : i32
      %dma_wait3A_417 = arith.constant 0 : i32
      %dma_wait3A_418 = tpu.memref_slice %arg5[%dma_wait3A, %dma_wait3A_416, %dma_wait3A_417] : memref<4x128x128xf32, #tpu.memory_space<vmem>> -> memref<1x128x128xf32, #tpu.memory_space<vmem>>
      %dma_wait3A_419 = tpu.memref_squeeze %dma_wait3A_418 : memref<1x128x128xf32, #tpu.memory_space<vmem>> -> memref<128x128xf32, #tpu.memory_space<vmem>>
      %dma_wait3A_420 = arith.constant 0 : i32
      %dma_wait3A_421 = arith.constant 0 : i32
      %dma_wait3A_422 = tpu.memref_slice %arg2[%dma_wait3A_420, %dma_wait3A_421] : memref<100000x128xf32, #tpu.memory_space<hbm>> -> memref<128x128xf32, #tpu.memory_space<hbm>>
      tpu.wait_dma2 semaphore(%arg8 : memref<!tpu.dma_semaphore, #tpu.memory_space<semaphore_mem>>) src(%dma_wait3A_422 : memref<128x128xf32, #tpu.memory_space<hbm>>) dst(%dma_wait3A_419 : memref<128x128xf32, #tpu.memory_space<vmem>>)
      %dma_start3A = arith.constant 0 : i32
      %dma_start3A_423 = arith.constant 0 : i32
      %dma_start3A_424 = arith.constant 0 : i32
      %dma_start3A_425 = arith.constant 0 : i32
      %dma_start3A_426 = tpu.memref_slice %arg5[%dma_start3A, %dma_start3A_424, %dma_start3A_425] : memref<4x128x128xf32, #tpu.memory_space<vmem>> -> memref<1x128x128xf32, #tpu.memory_space<vmem>>
      %dma_start3A_427 = tpu.memref_squeeze %dma_start3A_426 : memref<1x128x128xf32, #tpu.memory_space<vmem>> -> memref<128x128xf32, #tpu.memory_space<vmem>>
      %dma_start3A_428 = arith.constant 0 : i32
      %dma_start3A_429 = tpu.memref_slice %arg6[%dma_start3A_423, %dma_start3A_428] : memref<32x128xi32, #tpu.memory_space<vmem>> -> memref<1x128xi32, #tpu.memory_space<vmem>>
      %dma_start3A_430 = tpu.memref_squeeze %dma_start3A_429 : memref<1x128xi32, #tpu.memory_space<vmem>> -> memref<128xi32, #tpu.memory_space<vmem>>
      %dma_start3A_431 = arith.constant 0 : i32
      %dma_start3A_432 = arith.constant 0 : i32
      %dma_start3A_433 = tpu.memref_slice %arg7[%dma_start3A_431, %dma_start3A_432] : memref<1024x128xf32, #tpu.memory_space<vmem_shared>> -> memref<1024x128xf32, #tpu.memory_space<vmem_shared>>
      tpu.enqueue_indirect_dma source(%dma_start3A_427 : memref<128x128xf32, #tpu.memory_space<vmem>>) target(%dma_start3A_433 : memref<1024x128xf32, #tpu.memory_space<vmem_shared>>) offsets(%dma_start3A_430 : memref<128xi32, #tpu.memory_space<vmem>>) semaphore(%arg12 : memref<!tpu.dma_semaphore, #tpu.memory_space<semaphore_mem>>) {add = true}
    } else {
    }
    %add3A_30 = arith.constant 0 : i32
    %add3A_31 = arith.addi %add3A_13, %add3A_30 : i32
    %add3A_32 = arith.constant 2 : i32
    %add3A_33 = arith.addi %add3A_31, %add3A_32 : i32
    %le3A_34 = arith.constant 780 : i32
    %le3A_35 = arith.cmpi sle, %add3A_33, %le3A_34 : i32
    %convert_element_type3A_36 = arith.extui %le3A_35 : i1 to i32
    %cond3A_37 = arith.constant 0 : i32
    %cond3A_38 = arith.cmpi ne, %convert_element_type3A_36, %cond3A_37 : i32
    scf.if %cond3A_38 {
      %add3A_409 = arith.constant 2 : i32
      %add3A_410 = arith.addi %add3A_13, %add3A_409 : i32
      %mul3A_411 = arith.constant 128 : i32
      %mul3A_412 = arith.muli %add3A_410, %mul3A_411 : i32
      %dma_start3A = arith.constant 2 : i32
      %dma_start3A_413 = arith.constant 0 : i32
      %dma_start3A_414 = arith.constant 0 : i32
      %dma_start3A_415 = tpu.memref_slice %arg5[%dma_start3A, %dma_start3A_413, %dma_start3A_414] : memref<4x128x128xf32, #tpu.memory_space<vmem>> -> memref<1x128x128xf32, #tpu.memory_space<vmem>>
      %dma_start3A_416 = tpu.memref_squeeze %dma_start3A_415 : memref<1x128x128xf32, #tpu.memory_space<vmem>> -> memref<128x128xf32, #tpu.memory_space<vmem>>
      %dma_start3A_417 = arith.constant 0 : i32
      %dma_start3A_418 = tpu.memref_slice %arg2[%mul3A_412, %dma_start3A_417] : memref<100000x128xf32, #tpu.memory_space<hbm>> -> memref<128x128xf32, #tpu.memory_space<hbm>>
      %dma_start3A_419 = arith.constant 0 : i32
      %dma_start3A_420 = arith.constant 0 : i32
      %dma_start3A_421 = tpu.memref_slice %arg5[%dma_start3A, %dma_start3A_419, %dma_start3A_420] : memref<4x128x128xf32, #tpu.memory_space<vmem>> -> memref<1x128x128xf32, #tpu.memory_space<vmem>>
      %dma_start3A_422 = tpu.memref_squeeze %dma_start3A_421 : memref<1x128x128xf32, #tpu.memory_space<vmem>> -> memref<128x128xf32, #tpu.memory_space<vmem>>
      %dma_start3A_423 = arith.constant 0 : i32
      %dma_start3A_424 = tpu.memref_slice %arg2[%mul3A_412, %dma_start3A_423] : memref<100000x128xf32, #tpu.memory_space<hbm>> -> memref<128x128xf32, #tpu.memory_space<hbm>>
      tpu.enqueue_dma source(%dma_start3A_424 : memref<128x128xf32, #tpu.memory_space<hbm>>) target(%dma_start3A_422 : memref<128x128xf32, #tpu.memory_space<vmem>>) target_semaphore(%arg10 : memref<!tpu.dma_semaphore, #tpu.memory_space<semaphore_mem>>)
    } else {
    }
    %add3A_39 = arith.constant 1 : i32
    %add3A_40 = arith.addi %add3A_13, %add3A_39 : i32
    %le3A_41 = arith.constant 780 : i32
    %le3A_42 = arith.cmpi sle, %add3A_40, %le3A_41 : i32
    %convert_element_type3A_43 = arith.extui %le3A_42 : i1 to i32
    %cond3A_44 = arith.constant 0 : i32
    %cond3A_45 = arith.cmpi ne, %convert_element_type3A_43, %cond3A_44 : i32
    scf.if %cond3A_45 {
      %dma_wait3A = arith.constant 1 : i32
      %dma_wait3A_409 = arith.constant 0 : i32
      %dma_wait3A_410 = arith.constant 0 : i32
      %dma_wait3A_411 = tpu.memref_slice %arg5[%dma_wait3A, %dma_wait3A_409, %dma_wait3A_410] : memref<4x128x128xf32, #tpu.memory_space<vmem>> -> memref<1x128x128xf32, #tpu.memory_space<vmem>>
      %dma_wait3A_412 = tpu.memref_squeeze %dma_wait3A_411 : memref<1x128x128xf32, #tpu.memory_space<vmem>> -> memref<128x128xf32, #tpu.memory_space<vmem>>
      %dma_wait3A_413 = arith.constant 0 : i32
      %dma_wait3A_414 = arith.constant 0 : i32
      %dma_wait3A_415 = tpu.memref_slice %arg2[%dma_wait3A_413, %dma_wait3A_414] : memref<100000x128xf32, #tpu.memory_space<hbm>> -> memref<128x128xf32, #tpu.memory_space<hbm>>
      %dma_wait3A_416 = arith.constant 0 : i32
      %dma_wait3A_417 = arith.constant 0 : i32
      %dma_wait3A_418 = tpu.memref_slice %arg5[%dma_wait3A, %dma_wait3A_416, %dma_wait3A_417] : memref<4x128x128xf32, #tpu.memory_space<vmem>> -> memref<1x128x128xf32, #tpu.memory_space<vmem>>
      %dma_wait3A_419 = tpu.memref_squeeze %dma_wait3A_418 : memref<1x128x128xf32, #tpu.memory_space<vmem>> -> memref<128x128xf32, #tpu.memory_space<vmem>>
      %dma_wait3A_420 = arith.constant 0 : i32
      %dma_wait3A_421 = arith.constant 0 : i32
      %dma_wait3A_422 = tpu.memref_slice %arg2[%dma_wait3A_420, %dma_wait3A_421] : memref<100000x128xf32, #tpu.memory_space<hbm>> -> memref<128x128xf32, #tpu.memory_space<hbm>>
      tpu.wait_dma2 semaphore(%arg9 : memref<!tpu.dma_semaphore, #tpu.memory_space<semaphore_mem>>) src(%dma_wait3A_422 : memref<128x128xf32, #tpu.memory_space<hbm>>) dst(%dma_wait3A_419 : memref<128x128xf32, #tpu.memory_space<vmem>>)
      %dma_start3A = arith.constant 1 : i32
      %dma_start3A_423 = arith.constant 1 : i32
      %dma_start3A_424 = arith.constant 0 : i32
      %dma_start3A_425 = arith.constant 0 : i32
      %dma_start3A_426 = tpu.memref_slice %arg5[%dma_start3A, %dma_start3A_424, %dma_start3A_425] : memref<4x128x128xf32, #tpu.memory_space<vmem>> -> memref<1x128x128xf32, #tpu.memory_space<vmem>>
      %dma_start3A_427 = tpu.memref_squeeze %dma_start3A_426 : memref<1x128x128xf32, #tpu.memory_space<vmem>> -> memref<128x128xf32, #tpu.memory_space<vmem>>
      %dma_start3A_428 = arith.constant 0 : i32
      %dma_start3A_429 = tpu.memref_slice %arg6[%dma_start3A_423, %dma_start3A_428] : memref<32x128xi32, #tpu.memory_space<vmem>> -> memref<1x128xi32, #tpu.memory_space<vmem>>
      %dma_start3A_430 = tpu.memref_squeeze %dma_start3A_429 : memref<1x128xi32, #tpu.memory_space<vmem>> -> memref<128xi32, #tpu.memory_space<vmem>>
      %dma_start3A_431 = arith.constant 0 : i32
      %dma_start3A_432 = arith.constant 0 : i32
      %dma_start3A_433 = tpu.memref_slice %arg7[%dma_start3A_431, %dma_start3A_432] : memref<1024x128xf32, #tpu.memory_space<vmem_shared>> -> memref<1024x128xf32, #tpu.memory_space<vmem_shared>>
      tpu.enqueue_indirect_dma source(%dma_start3A_427 : memref<128x128xf32, #tpu.memory_space<vmem>>) target(%dma_start3A_433 : memref<1024x128xf32, #tpu.memory_space<vmem_shared>>) offsets(%dma_start3A_430 : memref<128xi32, #tpu.memory_space<vmem>>) semaphore(%arg13 : memref<!tpu.dma_semaphore, #tpu.memory_space<semaphore_mem>>) {add = true}
    } else {
    }
    %add3A_46 = arith.constant 1 : i32
    %add3A_47 = arith.addi %add3A_13, %add3A_46 : i32
    %add3A_48 = arith.constant 2 : i32
    %add3A_49 = arith.addi %add3A_47, %add3A_48 : i32
    %le3A_50 = arith.constant 780 : i32
    %le3A_51 = arith.cmpi sle, %add3A_49, %le3A_50 : i32
    %convert_element_type3A_52 = arith.extui %le3A_51 : i1 to i32
    %cond3A_53 = arith.constant 0 : i32
    %cond3A_54 = arith.cmpi ne, %convert_element_type3A_52, %cond3A_53 : i32
    scf.if %cond3A_54 {
      %add3A_409 = arith.constant 3 : i32
      %add3A_410 = arith.addi %add3A_13, %add3A_409 : i32
      %mul3A_411 = arith.constant 128 : i32
      %mul3A_412 = arith.muli %add3A_410, %mul3A_411 : i32
      %dma_start3A = arith.constant 3 : i32
      %dma_start3A_413 = arith.constant 0 : i32
      %dma_start3A_414 = arith.constant 0 : i32
      %dma_start3A_415 = tpu.memref_slice %arg5[%dma_start3A, %dma_start3A_413, %dma_start3A_414] : memref<4x128x128xf32, #tpu.memory_space<vmem>> -> memref<1x128x128xf32, #tpu.memory_space<vmem>>
      %dma_start3A_416 = tpu.memref_squeeze %dma_start3A_415 : memref<1x128x128xf32, #tpu.memory_space<vmem>> -> memref<128x128xf32, #tpu.memory_space<vmem>>
      %dma_start3A_417 = arith.constant 0 : i32
      %dma_start3A_418 = tpu.memref_slice %arg2[%mul3A_412, %dma_start3A_417] : memref<100000x128xf32, #tpu.memory_space<hbm>> -> memref<128x128xf32, #tpu.memory_space<hbm>>
      %dma_start3A_419 = arith.constant 0 : i32
      %dma_start3A_420 = arith.constant 0 : i32
      %dma_start3A_421 = tpu.memref_slice %arg5[%dma_start3A, %dma_start3A_419, %dma_start3A_420] : memref<4x128x128xf32, #tpu.memory_space<vmem>> -> memref<1x128x128xf32, #tpu.memory_space<vmem>>
      %dma_start3A_422 = tpu.memref_squeeze %dma_start3A_421 : memref<1x128x128xf32, #tpu.memory_space<vmem>> -> memref<128x128xf32, #tpu.memory_space<vmem>>
      %dma_start3A_423 = arith.constant 0 : i32
      %dma_start3A_424 = tpu.memref_slice %arg2[%mul3A_412, %dma_start3A_423] : memref<100000x128xf32, #tpu.memory_space<hbm>> -> memref<128x128xf32, #tpu.memory_space<hbm>>
      tpu.enqueue_dma source(%dma_start3A_424 : memref<128x128xf32, #tpu.memory_space<hbm>>) target(%dma_start3A_422 : memref<128x128xf32, #tpu.memory_space<vmem>>) target_semaphore(%arg11 : memref<!tpu.dma_semaphore, #tpu.memory_space<semaphore_mem>>)
    } else {
    }
    %add3A_55 = arith.constant 2 : i32
    %add3A_56 = arith.addi %add3A_13, %add3A_55 : i32
    %le3A_57 = arith.constant 780 : i32
    %le3A_58 = arith.cmpi sle, %add3A_56, %le3A_57 : i32
    %convert_element_type3A_59 = arith.extui %le3A_58 : i1 to i32
    %cond3A_60 = arith.constant 0 : i32
    %cond3A_61 = arith.cmpi ne, %convert_element_type3A_59, %cond3A_60 : i32
    scf.if %cond3A_61 {
      %dma_wait3A = arith.constant 2 : i32
      %dma_wait3A_409 = arith.constant 0 : i32
      %dma_wait3A_410 = arith.constant 0 : i32
      %dma_wait3A_411 = tpu.memref_slice %arg5[%dma_wait3A, %dma_wait3A_409, %dma_wait3A_410] : memref<4x128x128xf32, #tpu.memory_space<vmem>> -> memref<1x128x128xf32, #tpu.memory_space<vmem>>
      %dma_wait3A_412 = tpu.memref_squeeze %dma_wait3A_411 : memref<1x128x128xf32, #tpu.memory_space<vmem>> -> memref<128x128xf32, #tpu.memory_space<vmem>>
      %dma_wait3A_413 = arith.constant 0 : i32
      %dma_wait3A_414 = arith.constant 0 : i32
      %dma_wait3A_415 = tpu.memref_slice %arg2[%dma_wait3A_413, %dma_wait3A_414] : memref<100000x128xf32, #tpu.memory_space<hbm>> -> memref<128x128xf32, #tpu.memory_space<hbm>>
      %dma_wait3A_416 = arith.constant 0 : i32
      %dma_wait3A_417 = arith.constant 0 : i32
      %dma_wait3A_418 = tpu.memref_slice %arg5[%dma_wait3A, %dma_wait3A_416, %dma_wait3A_417] : memref<4x128x128xf32, #tpu.memory_space<vmem>> -> memref<1x128x128xf32, #tpu.memory_space<vmem>>
      %dma_wait3A_419 = tpu.memref_squeeze %dma_wait3A_418 : memref<1x128x128xf32, #tpu.memory_space<vmem>> -> memref<128x128xf32, #tpu.memory_space<vmem>>
      %dma_wait3A_420 = arith.constant 0 : i32
      %dma_wait3A_421 = arith.constant 0 : i32
      %dma_wait3A_422 = tpu.memref_slice %arg2[%dma_wait3A_420, %dma_wait3A_421] : memref<100000x128xf32, #tpu.memory_space<hbm>> -> memref<128x128xf32, #tpu.memory_space<hbm>>
      tpu.wait_dma2 semaphore(%arg10 : memref<!tpu.dma_semaphore, #tpu.memory_space<semaphore_mem>>) src(%dma_wait3A_422 : memref<128x128xf32, #tpu.memory_space<hbm>>) dst(%dma_wait3A_419 : memref<128x128xf32, #tpu.memory_space<vmem>>)
      %dma_start3A = arith.constant 2 : i32
      %dma_start3A_423 = arith.constant 2 : i32
      %dma_start3A_424 = arith.constant 0 : i32
      %dma_start3A_425 = arith.constant 0 : i32
      %dma_start3A_426 = tpu.memref_slice %arg5[%dma_start3A, %dma_start3A_424, %dma_start3A_425] : memref<4x128x128xf32, #tpu.memory_space<vmem>> -> memref<1x128x128xf32, #tpu.memory_space<vmem>>
      %dma_start3A_427 = tpu.memref_squeeze %dma_start3A_426 : memref<1x128x128xf32, #tpu.memory_space<vmem>> -> memref<128x128xf32, #tpu.memory_space<vmem>>
      %dma_start3A_428 = arith.constant 0 : i32
      %dma_start3A_429 = tpu.memref_slice %arg6[%dma_start3A_423, %dma_start3A_428] : memref<32x128xi32, #tpu.memory_space<vmem>> -> memref<1x128xi32, #tpu.memory_space<vmem>>
      %dma_start3A_430 = tpu.memref_squeeze %dma_start3A_429 : memref<1x128xi32, #tpu.memory_space<vmem>> -> memref<128xi32, #tpu.memory_space<vmem>>
      %dma_start3A_431 = arith.constant 0 : i32
      %dma_start3A_432 = arith.constant 0 : i32
      %dma_start3A_433 = tpu.memref_slice %arg7[%dma_start3A_431, %dma_start3A_432] : memref<1024x128xf32, #tpu.memory_space<vmem_shared>> -> memref<1024x128xf32, #tpu.memory_space<vmem_shared>>
      tpu.enqueue_indirect_dma source(%dma_start3A_427 : memref<128x128xf32, #tpu.memory_space<vmem>>) target(%dma_start3A_433 : memref<1024x128xf32, #tpu.memory_space<vmem_shared>>) offsets(%dma_start3A_430 : memref<128xi32, #tpu.memory_space<vmem>>) semaphore(%arg12 : memref<!tpu.dma_semaphore, #tpu.memory_space<semaphore_mem>>) {add = true}
    } else {
    }
    %add3A_62 = arith.constant 2 : i32
    %add3A_63 = arith.addi %add3A_13, %add3A_62 : i32
    %sub3A = arith.constant 2 : i32
    %sub3A_64 = arith.subi %add3A_63, %sub3A : i32
    %le3A_65 = arith.constant 780 : i32
    %le3A_66 = arith.cmpi sle, %sub3A_64, %le3A_65 : i32
    %convert_element_type3A_67 = arith.extui %le3A_66 : i1 to i32
    %cond3A_68 = arith.constant 0 : i32
    %cond3A_69 = arith.cmpi ne, %convert_element_type3A_67, %cond3A_68 : i32
    scf.if %cond3A_69 {
      %dma_wait3A = arith.constant 0 : i32
      %dma_wait3A_409 = arith.constant 0 : i32
      %dma_wait3A_410 = arith.constant 0 : i32
      %dma_wait3A_411 = arith.constant 0 : i32
      %dma_wait3A_412 = tpu.memref_slice %arg5[%dma_wait3A, %dma_wait3A_410, %dma_wait3A_411] : memref<4x128x128xf32, #tpu.memory_space<vmem>> -> memref<1x128x128xf32, #tpu.memory_space<vmem>>
      %dma_wait3A_413 = tpu.memref_squeeze %dma_wait3A_412 : memref<1x128x128xf32, #tpu.memory_space<vmem>> -> memref<128x128xf32, #tpu.memory_space<vmem>>
      %dma_wait3A_414 = arith.constant 0 : i32
      %dma_wait3A_415 = tpu.memref_slice %arg6[%dma_wait3A_409, %dma_wait3A_414] : memref<32x128xi32, #tpu.memory_space<vmem>> -> memref<1x128xi32, #tpu.memory_space<vmem>>
      %dma_wait3A_416 = tpu.memref_squeeze %dma_wait3A_415 : memref<1x128xi32, #tpu.memory_space<vmem>> -> memref<128xi32, #tpu.memory_space<vmem>>
      %dma_wait3A_417 = arith.constant 0 : i32
      %dma_wait3A_418 = arith.constant 0 : i32
      %dma_wait3A_419 = tpu.memref_slice %arg7[%dma_wait3A_417, %dma_wait3A_418] : memref<1024x128xf32, #tpu.memory_space<vmem_shared>> -> memref<1024x128xf32, #tpu.memory_space<vmem_shared>>
      tpu.wait_indirect_dma semaphore(%arg12 : memref<!tpu.dma_semaphore, #tpu.memory_space<semaphore_mem>>) src(%dma_wait3A_413 : memref<128x128xf32, #tpu.memory_space<vmem>>) dst(%dma_wait3A_419 : memref<1024x128xf32, #tpu.memory_space<vmem_shared>>)
    } else {
    }
    %add3A_70 = arith.constant 2 : i32
    %add3A_71 = arith.addi %add3A_13, %add3A_70 : i32
    %add3A_72 = arith.constant 2 : i32
    %add3A_73 = arith.addi %add3A_71, %add3A_72 : i32
    %le3A_74 = arith.constant 780 : i32
    %le3A_75 = arith.cmpi sle, %add3A_73, %le3A_74 : i32
    %convert_element_type3A_76 = arith.extui %le3A_75 : i1 to i32
    %cond3A_77 = arith.constant 0 : i32
    %cond3A_78 = arith.cmpi ne, %convert_element_type3A_76, %cond3A_77 : i32
    scf.if %cond3A_78 {
      %add3A_409 = arith.constant 4 : i32
      %add3A_410 = arith.addi %add3A_13, %add3A_409 : i32
      %mul3A_411 = arith.constant 128 : i32
      %mul3A_412 = arith.muli %add3A_410, %mul3A_411 : i32
      %dma_start3A = arith.constant 0 : i32
      %dma_start3A_413 = arith.constant 0 : i32
      %dma_start3A_414 = arith.constant 0 : i32
      %dma_start3A_415 = tpu.memref_slice %arg5[%dma_start3A, %dma_start3A_413, %dma_start3A_414] : memref<4x128x128xf32, #tpu.memory_space<vmem>> -> memref<1x128x128xf32, #tpu.memory_space<vmem>>
      %dma_start3A_416 = tpu.memref_squeeze %dma_start3A_415 : memref<1x128x128xf32, #tpu.memory_space<vmem>> -> memref<128x128xf32, #tpu.memory_space<vmem>>
      %dma_start3A_417 = arith.constant 0 : i32
      %dma_start3A_418 = tpu.memref_slice %arg2[%mul3A_412, %dma_start3A_417] : memref<100000x128xf32, #tpu.memory_space<hbm>> -> memref<128x128xf32, #tpu.memory_space<hbm>>
      %dma_start3A_419 = arith.constant 0 : i32
      %dma_start3A_420 = arith.constant 0 : i32
      %dma_start3A_421 = tpu.memref_slice %arg5[%dma_start3A, %dma_start3A_419, %dma_start3A_420] : memref<4x128x128xf32, #tpu.memory_space<vmem>> -> memref<1x128x128xf32, #tpu.memory_space<vmem>>
      %dma_start3A_422 = tpu.memref_squeeze %dma_start3A_421 : memref<1x128x128xf32, #tpu.memory_space<vmem>> -> memref<128x128xf32, #tpu.memory_space<vmem>>
      %dma_start3A_423 = arith.constant 0 : i32
      %dma_start3A_424 = tpu.memref_slice %arg2[%mul3A_412, %dma_start3A_423] : memref<100000x128xf32, #tpu.memory_space<hbm>> -> memref<128x128xf32, #tpu.memory_space<hbm>>
      tpu.enqueue_dma source(%dma_start3A_424 : memref<128x128xf32, #tpu.memory_space<hbm>>) target(%dma_start3A_422 : memref<128x128xf32, #tpu.memory_space<vmem>>) target_semaphore(%arg8 : memref<!tpu.dma_semaphore, #tpu.memory_space<semaphore_mem>>)
    } else {
    }
    %add3A_79 = arith.constant 3 : i32
    %add3A_80 = arith.addi %add3A_13, %add3A_79 : i32
    %le3A_81 = arith.constant 780 : i32
    %le3A_82 = arith.cmpi sle, %add3A_80, %le3A_81 : i32
    %convert_element_type3A_83 = arith.extui %le3A_82 : i1 to i32
    %cond3A_84 = arith.constant 0 : i32
    %cond3A_85 = arith.cmpi ne, %convert_element_type3A_83, %cond3A_84 : i32
    scf.if %cond3A_85 {
      %dma_wait3A = arith.constant 3 : i32
      %dma_wait3A_409 = arith.constant 0 : i32
      %dma_wait3A_410 = arith.constant 0 : i32
      %dma_wait3A_411 = tpu.memref_slice %arg5[%dma_wait3A, %dma_wait3A_409, %dma_wait3A_410] : memref<4x128x128xf32, #tpu.memory_space<vmem>> -> memref<1x128x128xf32, #tpu.memory_space<vmem>>
      %dma_wait3A_412 = tpu.memref_squeeze %dma_wait3A_411 : memref<1x128x128xf32, #tpu.memory_space<vmem>> -> memref<128x128xf32, #tpu.memory_space<vmem>>
      %dma_wait3A_413 = arith.constant 0 : i32
      %dma_wait3A_414 = arith.constant 0 : i32
      %dma_wait3A_415 = tpu.memref_slice %arg2[%dma_wait3A_413, %dma_wait3A_414] : memref<100000x128xf32, #tpu.memory_space<hbm>> -> memref<128x128xf32, #tpu.memory_space<hbm>>
      %dma_wait3A_416 = arith.constant 0 : i32
      %dma_wait3A_417 = arith.constant 0 : i32
      %dma_wait3A_418 = tpu.memref_slice %arg5[%dma_wait3A, %dma_wait3A_416, %dma_wait3A_417] : memref<4x128x128xf32, #tpu.memory_space<vmem>> -> memref<1x128x128xf32, #tpu.memory_space<vmem>>
      %dma_wait3A_419 = tpu.memref_squeeze %dma_wait3A_418 : memref<1x128x128xf32, #tpu.memory_space<vmem>> -> memref<128x128xf32, #tpu.memory_space<vmem>>
      %dma_wait3A_420 = arith.constant 0 : i32
      %dma_wait3A_421 = arith.constant 0 : i32
      %dma_wait3A_422 = tpu.memref_slice %arg2[%dma_wait3A_420, %dma_wait3A_421] : memref<100000x128xf32, #tpu.memory_space<hbm>> -> memref<128x128xf32, #tpu.memory_space<hbm>>
      tpu.wait_dma2 semaphore(%arg11 : memref<!tpu.dma_semaphore, #tpu.memory_space<semaphore_mem>>) src(%dma_wait3A_422 : memref<128x128xf32, #tpu.memory_space<hbm>>) dst(%dma_wait3A_419 : memref<128x128xf32, #tpu.memory_space<vmem>>)
      %dma_start3A = arith.constant 3 : i32
      %dma_start3A_423 = arith.constant 3 : i32
      %dma_start3A_424 = arith.constant 0 : i32
      %dma_start3A_425 = arith.constant 0 : i32
      %dma_start3A_426 = tpu.memref_slice %arg5[%dma_start3A, %dma_start3A_424, %dma_start3A_425] : memref<4x128x128xf32, #tpu.memory_space<vmem>> -> memref<1x128x128xf32, #tpu.memory_space<vmem>>
      %dma_start3A_427 = tpu.memref_squeeze %dma_start3A_426 : memref<1x128x128xf32, #tpu.memory_space<vmem>> -> memref<128x128xf32, #tpu.memory_space<vmem>>
      %dma_start3A_428 = arith.constant 0 : i32
      %dma_start3A_429 = tpu.memref_slice %arg6[%dma_start3A_423, %dma_start3A_428] : memref<32x128xi32, #tpu.memory_space<vmem>> -> memref<1x128xi32, #tpu.memory_space<vmem>>
      %dma_start3A_430 = tpu.memref_squeeze %dma_start3A_429 : memref<1x128xi32, #tpu.memory_space<vmem>> -> memref<128xi32, #tpu.memory_space<vmem>>
      %dma_start3A_431 = arith.constant 0 : i32
      %dma_start3A_432 = arith.constant 0 : i32
      %dma_start3A_433 = tpu.memref_slice %arg7[%dma_start3A_431, %dma_start3A_432] : memref<1024x128xf32, #tpu.memory_space<vmem_shared>> -> memref<1024x128xf32, #tpu.memory_space<vmem_shared>>
      tpu.enqueue_indirect_dma source(%dma_start3A_427 : memref<128x128xf32, #tpu.memory_space<vmem>>) target(%dma_start3A_433 : memref<1024x128xf32, #tpu.memory_space<vmem_shared>>) offsets(%dma_start3A_430 : memref<128xi32, #tpu.memory_space<vmem>>) semaphore(%arg13 : memref<!tpu.dma_semaphore, #tpu.memory_space<semaphore_mem>>) {add = true}
    } else {
    }
    %add3A_86 = arith.constant 3 : i32
    %add3A_87 = arith.addi %add3A_13, %add3A_86 : i32
    %sub3A_88 = arith.constant 2 : i32
    %sub3A_89 = arith.subi %add3A_87, %sub3A_88 : i32
    %le3A_90 = arith.constant 780 : i32
    %le3A_91 = arith.cmpi sle, %sub3A_89, %le3A_90 : i32
    %convert_element_type3A_92 = arith.extui %le3A_91 : i1 to i32
    %cond3A_93 = arith.constant 0 : i32
    %cond3A_94 = arith.cmpi ne, %convert_element_type3A_92, %cond3A_93 : i32
    scf.if %cond3A_94 {
      %dma_wait3A = arith.constant 1 : i32
      %dma_wait3A_409 = arith.constant 1 : i32
      %dma_wait3A_410 = arith.constant 0 : i32
      %dma_wait3A_411 = arith.constant 0 : i32
      %dma_wait3A_412 = tpu.memref_slice %arg5[%dma_wait3A, %dma_wait3A_410, %dma_wait3A_411] : memref<4x128x128xf32, #tpu.memory_space<vmem>> -> memref<1x128x128xf32, #tpu.memory_space<vmem>>
      %dma_wait3A_413 = tpu.memref_squeeze %dma_wait3A_412 : memref<1x128x128xf32, #tpu.memory_space<vmem>> -> memref<128x128xf32, #tpu.memory_space<vmem>>
      %dma_wait3A_414 = arith.constant 0 : i32
      %dma_wait3A_415 = tpu.memref_slice %arg6[%dma_wait3A_409, %dma_wait3A_414] : memref<32x128xi32, #tpu.memory_space<vmem>> -> memref<1x128xi32, #tpu.memory_space<vmem>>
      %dma_wait3A_416 = tpu.memref_squeeze %dma_wait3A_415 : memref<1x128xi32, #tpu.memory_space<vmem>> -> memref<128xi32, #tpu.memory_space<vmem>>
      %dma_wait3A_417 = arith.constant 0 : i32
      %dma_wait3A_418 = arith.constant 0 : i32
      %dma_wait3A_419 = tpu.memref_slice %arg7[%dma_wait3A_417, %dma_wait3A_418] : memref<1024x128xf32, #tpu.memory_space<vmem_shared>> -> memref<1024x128xf32, #tpu.memory_space<vmem_shared>>
      tpu.wait_indirect_dma semaphore(%arg13 : memref<!tpu.dma_semaphore, #tpu.memory_space<semaphore_mem>>) src(%dma_wait3A_413 : memref<128x128xf32, #tpu.memory_space<vmem>>) dst(%dma_wait3A_419 : memref<1024x128xf32, #tpu.memory_space<vmem_shared>>)
    } else {
    }
    %add3A_95 = arith.constant 3 : i32
    %add3A_96 = arith.addi %add3A_13, %add3A_95 : i32
    %add3A_97 = arith.constant 2 : i32
    %add3A_98 = arith.addi %add3A_96, %add3A_97 : i32
    %le3A_99 = arith.constant 780 : i32
    %le3A_100 = arith.cmpi sle, %add3A_98, %le3A_99 : i32
    %convert_element_type3A_101 = arith.extui %le3A_100 : i1 to i32
    %cond3A_102 = arith.constant 0 : i32
    %cond3A_103 = arith.cmpi ne, %convert_element_type3A_101, %cond3A_102 : i32
    scf.if %cond3A_103 {
      %add3A_409 = arith.constant 5 : i32
      %add3A_410 = arith.addi %add3A_13, %add3A_409 : i32
      %mul3A_411 = arith.constant 128 : i32
      %mul3A_412 = arith.muli %add3A_410, %mul3A_411 : i32
      %dma_start3A = arith.constant 1 : i32
      %dma_start3A_413 = arith.constant 0 : i32
      %dma_start3A_414 = arith.constant 0 : i32
      %dma_start3A_415 = tpu.memref_slice %arg5[%dma_start3A, %dma_start3A_413, %dma_start3A_414] : memref<4x128x128xf32, #tpu.memory_space<vmem>> -> memref<1x128x128xf32, #tpu.memory_space<vmem>>
      %dma_start3A_416 = tpu.memref_squeeze %dma_start3A_415 : memref<1x128x128xf32, #tpu.memory_space<vmem>> -> memref<128x128xf32, #tpu.memory_space<vmem>>
      %dma_start3A_417 = arith.constant 0 : i32
      %dma_start3A_418 = tpu.memref_slice %arg2[%mul3A_412, %dma_start3A_417] : memref<100000x128xf32, #tpu.memory_space<hbm>> -> memref<128x128xf32, #tpu.memory_space<hbm>>
      %dma_start3A_419 = arith.constant 0 : i32
      %dma_start3A_420 = arith.constant 0 : i32
      %dma_start3A_421 = tpu.memref_slice %arg5[%dma_start3A, %dma_start3A_419, %dma_start3A_420] : memref<4x128x128xf32, #tpu.memory_space<vmem>> -> memref<1x128x128xf32, #tpu.memory_space<vmem>>
      %dma_start3A_422 = tpu.memref_squeeze %dma_start3A_421 : memref<1x128x128xf32, #tpu.memory_space<vmem>> -> memref<128x128xf32, #tpu.memory_space<vmem>>
      %dma_start3A_423 = arith.constant 0 : i32
      %dma_start3A_424 = tpu.memref_slice %arg2[%mul3A_412, %dma_start3A_423] : memref<100000x128xf32, #tpu.memory_space<hbm>> -> memref<128x128xf32, #tpu.memory_space<hbm>>
      tpu.enqueue_dma source(%dma_start3A_424 : memref<128x128xf32, #tpu.memory_space<hbm>>) target(%dma_start3A_422 : memref<128x128xf32, #tpu.memory_space<vmem>>) target_semaphore(%arg9 : memref<!tpu.dma_semaphore, #tpu.memory_space<semaphore_mem>>)
    } else {
    }
    %add3A_104 = arith.constant 4 : i32
    %add3A_105 = arith.addi %add3A_13, %add3A_104 : i32
    %le3A_106 = arith.constant 780 : i32
    %le3A_107 = arith.cmpi sle, %add3A_105, %le3A_106 : i32
    %convert_element_type3A_108 = arith.extui %le3A_107 : i1 to i32
    %cond3A_109 = arith.constant 0 : i32
    %cond3A_110 = arith.cmpi ne, %convert_element_type3A_108, %cond3A_109 : i32
    scf.if %cond3A_110 {
      %dma_wait3A = arith.constant 0 : i32
      %dma_wait3A_409 = arith.constant 0 : i32
      %dma_wait3A_410 = arith.constant 0 : i32
      %dma_wait3A_411 = tpu.memref_slice %arg5[%dma_wait3A, %dma_wait3A_409, %dma_wait3A_410] : memref<4x128x128xf32, #tpu.memory_space<vmem>> -> memref<1x128x128xf32, #tpu.memory_space<vmem>>
      %dma_wait3A_412 = tpu.memref_squeeze %dma_wait3A_411 : memref<1x128x128xf32, #tpu.memory_space<vmem>> -> memref<128x128xf32, #tpu.memory_space<vmem>>
      %dma_wait3A_413 = arith.constant 0 : i32
      %dma_wait3A_414 = arith.constant 0 : i32
      %dma_wait3A_415 = tpu.memref_slice %arg2[%dma_wait3A_413, %dma_wait3A_414] : memref<100000x128xf32, #tpu.memory_space<hbm>> -> memref<128x128xf32, #tpu.memory_space<hbm>>
      %dma_wait3A_416 = arith.constant 0 : i32
      %dma_wait3A_417 = arith.constant 0 : i32
      %dma_wait3A_418 = tpu.memref_slice %arg5[%dma_wait3A, %dma_wait3A_416, %dma_wait3A_417] : memref<4x128x128xf32, #tpu.memory_space<vmem>> -> memref<1x128x128xf32, #tpu.memory_space<vmem>>
      %dma_wait3A_419 = tpu.memref_squeeze %dma_wait3A_418 : memref<1x128x128xf32, #tpu.memory_space<vmem>> -> memref<128x128xf32, #tpu.memory_space<vmem>>
      %dma_wait3A_420 = arith.constant 0 : i32
      %dma_wait3A_421 = arith.constant 0 : i32
      %dma_wait3A_422 = tpu.memref_slice %arg2[%dma_wait3A_420, %dma_wait3A_421] : memref<100000x128xf32, #tpu.memory_space<hbm>> -> memref<128x128xf32, #tpu.memory_space<hbm>>
      tpu.wait_dma2 semaphore(%arg8 : memref<!tpu.dma_semaphore, #tpu.memory_space<semaphore_mem>>) src(%dma_wait3A_422 : memref<128x128xf32, #tpu.memory_space<hbm>>) dst(%dma_wait3A_419 : memref<128x128xf32, #tpu.memory_space<vmem>>)
      %dma_start3A = arith.constant 0 : i32
      %dma_start3A_423 = arith.constant 4 : i32
      %dma_start3A_424 = arith.constant 0 : i32
      %dma_start3A_425 = arith.constant 0 : i32
      %dma_start3A_426 = tpu.memref_slice %arg5[%dma_start3A, %dma_start3A_424, %dma_start3A_425] : memref<4x128x128xf32, #tpu.memory_space<vmem>> -> memref<1x128x128xf32, #tpu.memory_space<vmem>>
      %dma_start3A_427 = tpu.memref_squeeze %dma_start3A_426 : memref<1x128x128xf32, #tpu.memory_space<vmem>> -> memref<128x128xf32, #tpu.memory_space<vmem>>
      %dma_start3A_428 = arith.constant 0 : i32
      %dma_start3A_429 = tpu.memref_slice %arg6[%dma_start3A_423, %dma_start3A_428] : memref<32x128xi32, #tpu.memory_space<vmem>> -> memref<1x128xi32, #tpu.memory_space<vmem>>
      %dma_start3A_430 = tpu.memref_squeeze %dma_start3A_429 : memref<1x128xi32, #tpu.memory_space<vmem>> -> memref<128xi32, #tpu.memory_space<vmem>>
      %dma_start3A_431 = arith.constant 0 : i32
      %dma_start3A_432 = arith.constant 0 : i32
      %dma_start3A_433 = tpu.memref_slice %arg7[%dma_start3A_431, %dma_start3A_432] : memref<1024x128xf32, #tpu.memory_space<vmem_shared>> -> memref<1024x128xf32, #tpu.memory_space<vmem_shared>>
      tpu.enqueue_indirect_dma source(%dma_start3A_427 : memref<128x128xf32, #tpu.memory_space<vmem>>) target(%dma_start3A_433 : memref<1024x128xf32, #tpu.memory_space<vmem_shared>>) offsets(%dma_start3A_430 : memref<128xi32, #tpu.memory_space<vmem>>) semaphore(%arg12 : memref<!tpu.dma_semaphore, #tpu.memory_space<semaphore_mem>>) {add = true}
    } else {
    }
    %add3A_111 = arith.constant 4 : i32
    %add3A_112 = arith.addi %add3A_13, %add3A_111 : i32
    %sub3A_113 = arith.constant 2 : i32
    %sub3A_114 = arith.subi %add3A_112, %sub3A_113 : i32
    %le3A_115 = arith.constant 780 : i32
    %le3A_116 = arith.cmpi sle, %sub3A_114, %le3A_115 : i32
    %convert_element_type3A_117 = arith.extui %le3A_116 : i1 to i32
    %cond3A_118 = arith.constant 0 : i32
    %cond3A_119 = arith.cmpi ne, %convert_element_type3A_117, %cond3A_118 : i32
    scf.if %cond3A_119 {
      %dma_wait3A = arith.constant 2 : i32
      %dma_wait3A_409 = arith.constant 2 : i32
      %dma_wait3A_410 = arith.constant 0 : i32
      %dma_wait3A_411 = arith.constant 0 : i32
      %dma_wait3A_412 = tpu.memref_slice %arg5[%dma_wait3A, %dma_wait3A_410, %dma_wait3A_411] : memref<4x128x128xf32, #tpu.memory_space<vmem>> -> memref<1x128x128xf32, #tpu.memory_space<vmem>>
      %dma_wait3A_413 = tpu.memref_squeeze %dma_wait3A_412 : memref<1x128x128xf32, #tpu.memory_space<vmem>> -> memref<128x128xf32, #tpu.memory_space<vmem>>
      %dma_wait3A_414 = arith.constant 0 : i32
      %dma_wait3A_415 = tpu.memref_slice %arg6[%dma_wait3A_409, %dma_wait3A_414] : memref<32x128xi32, #tpu.memory_space<vmem>> -> memref<1x128xi32, #tpu.memory_space<vmem>>
      %dma_wait3A_416 = tpu.memref_squeeze %dma_wait3A_415 : memref<1x128xi32, #tpu.memory_space<vmem>> -> memref<128xi32, #tpu.memory_space<vmem>>
      %dma_wait3A_417 = arith.constant 0 : i32
      %dma_wait3A_418 = arith.constant 0 : i32
      %dma_wait3A_419 = tpu.memref_slice %arg7[%dma_wait3A_417, %dma_wait3A_418] : memref<1024x128xf32, #tpu.memory_space<vmem_shared>> -> memref<1024x128xf32, #tpu.memory_space<vmem_shared>>
      tpu.wait_indirect_dma semaphore(%arg12 : memref<!tpu.dma_semaphore, #tpu.memory_space<semaphore_mem>>) src(%dma_wait3A_413 : memref<128x128xf32, #tpu.memory_space<vmem>>) dst(%dma_wait3A_419 : memref<1024x128xf32, #tpu.memory_space<vmem_shared>>)
    } else {
    }
    %add3A_120 = arith.constant 4 : i32
    %add3A_121 = arith.addi %add3A_13, %add3A_120 : i32
    %add3A_122 = arith.constant 2 : i32
    %add3A_123 = arith.addi %add3A_121, %add3A_122 : i32
    %le3A_124 = arith.constant 780 : i32
    %le3A_125 = arith.cmpi sle, %add3A_123, %le3A_124 : i32
    %convert_element_type3A_126 = arith.extui %le3A_125 : i1 to i32
    %cond3A_127 = arith.constant 0 : i32
    %cond3A_128 = arith.cmpi ne, %convert_element_type3A_126, %cond3A_127 : i32
    scf.if %cond3A_128 {
      %add3A_409 = arith.constant 6 : i32
      %add3A_410 = arith.addi %add3A_13, %add3A_409 : i32
      %mul3A_411 = arith.constant 128 : i32
      %mul3A_412 = arith.muli %add3A_410, %mul3A_411 : i32
      %dma_start3A = arith.constant 2 : i32
      %dma_start3A_413 = arith.constant 0 : i32
      %dma_start3A_414 = arith.constant 0 : i32
      %dma_start3A_415 = tpu.memref_slice %arg5[%dma_start3A, %dma_start3A_413, %dma_start3A_414] : memref<4x128x128xf32, #tpu.memory_space<vmem>> -> memref<1x128x128xf32, #tpu.memory_space<vmem>>
      %dma_start3A_416 = tpu.memref_squeeze %dma_start3A_415 : memref<1x128x128xf32, #tpu.memory_space<vmem>> -> memref<128x128xf32, #tpu.memory_space<vmem>>
      %dma_start3A_417 = arith.constant 0 : i32
      %dma_start3A_418 = tpu.memref_slice %arg2[%mul3A_412, %dma_start3A_417] : memref<100000x128xf32, #tpu.memory_space<hbm>> -> memref<128x128xf32, #tpu.memory_space<hbm>>
      %dma_start3A_419 = arith.constant 0 : i32
      %dma_start3A_420 = arith.constant 0 : i32
      %dma_start3A_421 = tpu.memref_slice %arg5[%dma_start3A, %dma_start3A_419, %dma_start3A_420] : memref<4x128x128xf32, #tpu.memory_space<vmem>> -> memref<1x128x128xf32, #tpu.memory_space<vmem>>
      %dma_start3A_422 = tpu.memref_squeeze %dma_start3A_421 : memref<1x128x128xf32, #tpu.memory_space<vmem>> -> memref<128x128xf32, #tpu.memory_space<vmem>>
      %dma_start3A_423 = arith.constant 0 : i32
      %dma_start3A_424 = tpu.memref_slice %arg2[%mul3A_412, %dma_start3A_423] : memref<100000x128xf32, #tpu.memory_space<hbm>> -> memref<128x128xf32, #tpu.memory_space<hbm>>
      tpu.enqueue_dma source(%dma_start3A_424 : memref<128x128xf32, #tpu.memory_space<hbm>>) target(%dma_start3A_422 : memref<128x128xf32, #tpu.memory_space<vmem>>) target_semaphore(%arg10 : memref<!tpu.dma_semaphore, #tpu.memory_space<semaphore_mem>>)
    } else {
    }
    %add3A_129 = arith.constant 5 : i32
    %add3A_130 = arith.addi %add3A_13, %add3A_129 : i32
    %le3A_131 = arith.constant 780 : i32
    %le3A_132 = arith.cmpi sle, %add3A_130, %le3A_131 : i32
    %convert_element_type3A_133 = arith.extui %le3A_132 : i1 to i32
    %cond3A_134 = arith.constant 0 : i32
    %cond3A_135 = arith.cmpi ne, %convert_element_type3A_133, %cond3A_134 : i32
    scf.if %cond3A_135 {
      %dma_wait3A = arith.constant 1 : i32
      %dma_wait3A_409 = arith.constant 0 : i32
      %dma_wait3A_410 = arith.constant 0 : i32
      %dma_wait3A_411 = tpu.memref_slice %arg5[%dma_wait3A, %dma_wait3A_409, %dma_wait3A_410] : memref<4x128x128xf32, #tpu.memory_space<vmem>> -> memref<1x128x128xf32, #tpu.memory_space<vmem>>
      %dma_wait3A_412 = tpu.memref_squeeze %dma_wait3A_411 : memref<1x128x128xf32, #tpu.memory_space<vmem>> -> memref<128x128xf32, #tpu.memory_space<vmem>>
      %dma_wait3A_413 = arith.constant 0 : i32
      %dma_wait3A_414 = arith.constant 0 : i32
      %dma_wait3A_415 = tpu.memref_slice %arg2[%dma_wait3A_413, %dma_wait3A_414] : memref<100000x128xf32, #tpu.memory_space<hbm>> -> memref<128x128xf32, #tpu.memory_space<hbm>>
      %dma_wait3A_416 = arith.constant 0 : i32
      %dma_wait3A_417 = arith.constant 0 : i32
      %dma_wait3A_418 = tpu.memref_slice %arg5[%dma_wait3A, %dma_wait3A_416, %dma_wait3A_417] : memref<4x128x128xf32, #tpu.memory_space<vmem>> -> memref<1x128x128xf32, #tpu.memory_space<vmem>>
      %dma_wait3A_419 = tpu.memref_squeeze %dma_wait3A_418 : memref<1x128x128xf32, #tpu.memory_space<vmem>> -> memref<128x128xf32, #tpu.memory_space<vmem>>
      %dma_wait3A_420 = arith.constant 0 : i32
      %dma_wait3A_421 = arith.constant 0 : i32
      %dma_wait3A_422 = tpu.memref_slice %arg2[%dma_wait3A_420, %dma_wait3A_421] : memref<100000x128xf32, #tpu.memory_space<hbm>> -> memref<128x128xf32, #tpu.memory_space<hbm>>
      tpu.wait_dma2 semaphore(%arg9 : memref<!tpu.dma_semaphore, #tpu.memory_space<semaphore_mem>>) src(%dma_wait3A_422 : memref<128x128xf32, #tpu.memory_space<hbm>>) dst(%dma_wait3A_419 : memref<128x128xf32, #tpu.memory_space<vmem>>)
      %dma_start3A = arith.constant 1 : i32
      %dma_start3A_423 = arith.constant 5 : i32
      %dma_start3A_424 = arith.constant 0 : i32
      %dma_start3A_425 = arith.constant 0 : i32
      %dma_start3A_426 = tpu.memref_slice %arg5[%dma_start3A, %dma_start3A_424, %dma_start3A_425] : memref<4x128x128xf32, #tpu.memory_space<vmem>> -> memref<1x128x128xf32, #tpu.memory_space<vmem>>
      %dma_start3A_427 = tpu.memref_squeeze %dma_start3A_426 : memref<1x128x128xf32, #tpu.memory_space<vmem>> -> memref<128x128xf32, #tpu.memory_space<vmem>>
      %dma_start3A_428 = arith.constant 0 : i32
      %dma_start3A_429 = tpu.memref_slice %arg6[%dma_start3A_423, %dma_start3A_428] : memref<32x128xi32, #tpu.memory_space<vmem>> -> memref<1x128xi32, #tpu.memory_space<vmem>>
      %dma_start3A_430 = tpu.memref_squeeze %dma_start3A_429 : memref<1x128xi32, #tpu.memory_space<vmem>> -> memref<128xi32, #tpu.memory_space<vmem>>
      %dma_start3A_431 = arith.constant 0 : i32
      %dma_start3A_432 = arith.constant 0 : i32
      %dma_start3A_433 = tpu.memref_slice %arg7[%dma_start3A_431, %dma_start3A_432] : memref<1024x128xf32, #tpu.memory_space<vmem_shared>> -> memref<1024x128xf32, #tpu.memory_space<vmem_shared>>
      tpu.enqueue_indirect_dma source(%dma_start3A_427 : memref<128x128xf32, #tpu.memory_space<vmem>>) target(%dma_start3A_433 : memref<1024x128xf32, #tpu.memory_space<vmem_shared>>) offsets(%dma_start3A_430 : memref<128xi32, #tpu.memory_space<vmem>>) semaphore(%arg13 : memref<!tpu.dma_semaphore, #tpu.memory_space<semaphore_mem>>) {add = true}
    } else {
    }
    %add3A_136 = arith.constant 5 : i32
    %add3A_137 = arith.addi %add3A_13, %add3A_136 : i32
    %sub3A_138 = arith.constant 2 : i32
    %sub3A_139 = arith.subi %add3A_137, %sub3A_138 : i32
    %le3A_140 = arith.constant 780 : i32
    %le3A_141 = arith.cmpi sle, %sub3A_139, %le3A_140 : i32
    %convert_element_type3A_142 = arith.extui %le3A_141 : i1 to i32
    %cond3A_143 = arith.constant 0 : i32
    %cond3A_144 = arith.cmpi ne, %convert_element_type3A_142, %cond3A_143 : i32
    scf.if %cond3A_144 {
      %dma_wait3A = arith.constant 3 : i32
      %dma_wait3A_409 = arith.constant 3 : i32
      %dma_wait3A_410 = arith.constant 0 : i32
      %dma_wait3A_411 = arith.constant 0 : i32
      %dma_wait3A_412 = tpu.memref_slice %arg5[%dma_wait3A, %dma_wait3A_410, %dma_wait3A_411] : memref<4x128x128xf32, #tpu.memory_space<vmem>> -> memref<1x128x128xf32, #tpu.memory_space<vmem>>
      %dma_wait3A_413 = tpu.memref_squeeze %dma_wait3A_412 : memref<1x128x128xf32, #tpu.memory_space<vmem>> -> memref<128x128xf32, #tpu.memory_space<vmem>>
      %dma_wait3A_414 = arith.constant 0 : i32
      %dma_wait3A_415 = tpu.memref_slice %arg6[%dma_wait3A_409, %dma_wait3A_414] : memref<32x128xi32, #tpu.memory_space<vmem>> -> memref<1x128xi32, #tpu.memory_space<vmem>>
      %dma_wait3A_416 = tpu.memref_squeeze %dma_wait3A_415 : memref<1x128xi32, #tpu.memory_space<vmem>> -> memref<128xi32, #tpu.memory_space<vmem>>
      %dma_wait3A_417 = arith.constant 0 : i32
      %dma_wait3A_418 = arith.constant 0 : i32
      %dma_wait3A_419 = tpu.memref_slice %arg7[%dma_wait3A_417, %dma_wait3A_418] : memref<1024x128xf32, #tpu.memory_space<vmem_shared>> -> memref<1024x128xf32, #tpu.memory_space<vmem_shared>>
      tpu.wait_indirect_dma semaphore(%arg13 : memref<!tpu.dma_semaphore, #tpu.memory_space<semaphore_mem>>) src(%dma_wait3A_413 : memref<128x128xf32, #tpu.memory_space<vmem>>) dst(%dma_wait3A_419 : memref<1024x128xf32, #tpu.memory_space<vmem_shared>>)
    } else {
    }
    %add3A_145 = arith.constant 5 : i32
    %add3A_146 = arith.addi %add3A_13, %add3A_145 : i32
    %add3A_147 = arith.constant 2 : i32
    %add3A_148 = arith.addi %add3A_146, %add3A_147 : i32
    %le3A_149 = arith.constant 780 : i32
    %le3A_150 = arith.cmpi sle, %add3A_148, %le3A_149 : i32
    %convert_element_type3A_151 = arith.extui %le3A_150 : i1 to i32
    %cond3A_152 = arith.constant 0 : i32
    %cond3A_153 = arith.cmpi ne, %convert_element_type3A_151, %cond3A_152 : i32
    scf.if %cond3A_153 {
      %add3A_409 = arith.constant 7 : i32
      %add3A_410 = arith.addi %add3A_13, %add3A_409 : i32
      %mul3A_411 = arith.constant 128 : i32
      %mul3A_412 = arith.muli %add3A_410, %mul3A_411 : i32
      %dma_start3A = arith.constant 3 : i32
      %dma_start3A_413 = arith.constant 0 : i32
      %dma_start3A_414 = arith.constant 0 : i32
      %dma_start3A_415 = tpu.memref_slice %arg5[%dma_start3A, %dma_start3A_413, %dma_start3A_414] : memref<4x128x128xf32, #tpu.memory_space<vmem>> -> memref<1x128x128xf32, #tpu.memory_space<vmem>>
      %dma_start3A_416 = tpu.memref_squeeze %dma_start3A_415 : memref<1x128x128xf32, #tpu.memory_space<vmem>> -> memref<128x128xf32, #tpu.memory_space<vmem>>
      %dma_start3A_417 = arith.constant 0 : i32
      %dma_start3A_418 = tpu.memref_slice %arg2[%mul3A_412, %dma_start3A_417] : memref<100000x128xf32, #tpu.memory_space<hbm>> -> memref<128x128xf32, #tpu.memory_space<hbm>>
      %dma_start3A_419 = arith.constant 0 : i32
      %dma_start3A_420 = arith.constant 0 : i32
      %dma_start3A_421 = tpu.memref_slice %arg5[%dma_start3A, %dma_start3A_419, %dma_start3A_420] : memref<4x128x128xf32, #tpu.memory_space<vmem>> -> memref<1x128x128xf32, #tpu.memory_space<vmem>>
      %dma_start3A_422 = tpu.memref_squeeze %dma_start3A_421 : memref<1x128x128xf32, #tpu.memory_space<vmem>> -> memref<128x128xf32, #tpu.memory_space<vmem>>
      %dma_start3A_423 = arith.constant 0 : i32
      %dma_start3A_424 = tpu.memref_slice %arg2[%mul3A_412, %dma_start3A_423] : memref<100000x128xf32, #tpu.memory_space<hbm>> -> memref<128x128xf32, #tpu.memory_space<hbm>>
      tpu.enqueue_dma source(%dma_start3A_424 : memref<128x128xf32, #tpu.memory_space<hbm>>) target(%dma_start3A_422 : memref<128x128xf32, #tpu.memory_space<vmem>>) target_semaphore(%arg11 : memref<!tpu.dma_semaphore, #tpu.memory_space<semaphore_mem>>)
    } else {
    }
    %add3A_154 = arith.constant 6 : i32
    %add3A_155 = arith.addi %add3A_13, %add3A_154 : i32
    %le3A_156 = arith.constant 780 : i32
    %le3A_157 = arith.cmpi sle, %add3A_155, %le3A_156 : i32
    %convert_element_type3A_158 = arith.extui %le3A_157 : i1 to i32
    %cond3A_159 = arith.constant 0 : i32
    %cond3A_160 = arith.cmpi ne, %convert_element_type3A_158, %cond3A_159 : i32
    scf.if %cond3A_160 {
      %dma_wait3A = arith.constant 2 : i32
      %dma_wait3A_409 = arith.constant 0 : i32
      %dma_wait3A_410 = arith.constant 0 : i32
      %dma_wait3A_411 = tpu.memref_slice %arg5[%dma_wait3A, %dma_wait3A_409, %dma_wait3A_410] : memref<4x128x128xf32, #tpu.memory_space<vmem>> -> memref<1x128x128xf32, #tpu.memory_space<vmem>>
      %dma_wait3A_412 = tpu.memref_squeeze %dma_wait3A_411 : memref<1x128x128xf32, #tpu.memory_space<vmem>> -> memref<128x128xf32, #tpu.memory_space<vmem>>
      %dma_wait3A_413 = arith.constant 0 : i32
      %dma_wait3A_414 = arith.constant 0 : i32
      %dma_wait3A_415 = tpu.memref_slice %arg2[%dma_wait3A_413, %dma_wait3A_414] : memref<100000x128xf32, #tpu.memory_space<hbm>> -> memref<128x128xf32, #tpu.memory_space<hbm>>
      %dma_wait3A_416 = arith.constant 0 : i32
      %dma_wait3A_417 = arith.constant 0 : i32
      %dma_wait3A_418 = tpu.memref_slice %arg5[%dma_wait3A, %dma_wait3A_416, %dma_wait3A_417] : memref<4x128x128xf32, #tpu.memory_space<vmem>> -> memref<1x128x128xf32, #tpu.memory_space<vmem>>
      %dma_wait3A_419 = tpu.memref_squeeze %dma_wait3A_418 : memref<1x128x128xf32, #tpu.memory_space<vmem>> -> memref<128x128xf32, #tpu.memory_space<vmem>>
      %dma_wait3A_420 = arith.constant 0 : i32
      %dma_wait3A_421 = arith.constant 0 : i32
      %dma_wait3A_422 = tpu.memref_slice %arg2[%dma_wait3A_420, %dma_wait3A_421] : memref<100000x128xf32, #tpu.memory_space<hbm>> -> memref<128x128xf32, #tpu.memory_space<hbm>>
      tpu.wait_dma2 semaphore(%arg10 : memref<!tpu.dma_semaphore, #tpu.memory_space<semaphore_mem>>) src(%dma_wait3A_422 : memref<128x128xf32, #tpu.memory_space<hbm>>) dst(%dma_wait3A_419 : memref<128x128xf32, #tpu.memory_space<vmem>>)
      %dma_start3A = arith.constant 2 : i32
      %dma_start3A_423 = arith.constant 6 : i32
      %dma_start3A_424 = arith.constant 0 : i32
      %dma_start3A_425 = arith.constant 0 : i32
      %dma_start3A_426 = tpu.memref_slice %arg5[%dma_start3A, %dma_start3A_424, %dma_start3A_425] : memref<4x128x128xf32, #tpu.memory_space<vmem>> -> memref<1x128x128xf32, #tpu.memory_space<vmem>>
      %dma_start3A_427 = tpu.memref_squeeze %dma_start3A_426 : memref<1x128x128xf32, #tpu.memory_space<vmem>> -> memref<128x128xf32, #tpu.memory_space<vmem>>
      %dma_start3A_428 = arith.constant 0 : i32
      %dma_start3A_429 = tpu.memref_slice %arg6[%dma_start3A_423, %dma_start3A_428] : memref<32x128xi32, #tpu.memory_space<vmem>> -> memref<1x128xi32, #tpu.memory_space<vmem>>
      %dma_start3A_430 = tpu.memref_squeeze %dma_start3A_429 : memref<1x128xi32, #tpu.memory_space<vmem>> -> memref<128xi32, #tpu.memory_space<vmem>>
      %dma_start3A_431 = arith.constant 0 : i32
      %dma_start3A_432 = arith.constant 0 : i32
      %dma_start3A_433 = tpu.memref_slice %arg7[%dma_start3A_431, %dma_start3A_432] : memref<1024x128xf32, #tpu.memory_space<vmem_shared>> -> memref<1024x128xf32, #tpu.memory_space<vmem_shared>>
      tpu.enqueue_indirect_dma source(%dma_start3A_427 : memref<128x128xf32, #tpu.memory_space<vmem>>) target(%dma_start3A_433 : memref<1024x128xf32, #tpu.memory_space<vmem_shared>>) offsets(%dma_start3A_430 : memref<128xi32, #tpu.memory_space<vmem>>) semaphore(%arg12 : memref<!tpu.dma_semaphore, #tpu.memory_space<semaphore_mem>>) {add = true}
    } else {
    }
    %add3A_161 = arith.constant 6 : i32
    %add3A_162 = arith.addi %add3A_13, %add3A_161 : i32
    %sub3A_163 = arith.constant 2 : i32
    %sub3A_164 = arith.subi %add3A_162, %sub3A_163 : i32
    %le3A_165 = arith.constant 780 : i32
    %le3A_166 = arith.cmpi sle, %sub3A_164, %le3A_165 : i32
    %convert_element_type3A_167 = arith.extui %le3A_166 : i1 to i32
    %cond3A_168 = arith.constant 0 : i32
    %cond3A_169 = arith.cmpi ne, %convert_element_type3A_167, %cond3A_168 : i32
    scf.if %cond3A_169 {
      %dma_wait3A = arith.constant 0 : i32
      %dma_wait3A_409 = arith.constant 4 : i32
      %dma_wait3A_410 = arith.constant 0 : i32
      %dma_wait3A_411 = arith.constant 0 : i32
      %dma_wait3A_412 = tpu.memref_slice %arg5[%dma_wait3A, %dma_wait3A_410, %dma_wait3A_411] : memref<4x128x128xf32, #tpu.memory_space<vmem>> -> memref<1x128x128xf32, #tpu.memory_space<vmem>>
      %dma_wait3A_413 = tpu.memref_squeeze %dma_wait3A_412 : memref<1x128x128xf32, #tpu.memory_space<vmem>> -> memref<128x128xf32, #tpu.memory_space<vmem>>
      %dma_wait3A_414 = arith.constant 0 : i32
      %dma_wait3A_415 = tpu.memref_slice %arg6[%dma_wait3A_409, %dma_wait3A_414] : memref<32x128xi32, #tpu.memory_space<vmem>> -> memref<1x128xi32, #tpu.memory_space<vmem>>
      %dma_wait3A_416 = tpu.memref_squeeze %dma_wait3A_415 : memref<1x128xi32, #tpu.memory_space<vmem>> -> memref<128xi32, #tpu.memory_space<vmem>>
      %dma_wait3A_417 = arith.constant 0 : i32
      %dma_wait3A_418 = arith.constant 0 : i32
      %dma_wait3A_419 = tpu.memref_slice %arg7[%dma_wait3A_417, %dma_wait3A_418] : memref<1024x128xf32, #tpu.memory_space<vmem_shared>> -> memref<1024x128xf32, #tpu.memory_space<vmem_shared>>
      tpu.wait_indirect_dma semaphore(%arg12 : memref<!tpu.dma_semaphore, #tpu.memory_space<semaphore_mem>>) src(%dma_wait3A_413 : memref<128x128xf32, #tpu.memory_space<vmem>>) dst(%dma_wait3A_419 : memref<1024x128xf32, #tpu.memory_space<vmem_shared>>)
    } else {
    }
    %add3A_170 = arith.constant 6 : i32
    %add3A_171 = arith.addi %add3A_13, %add3A_170 : i32
    %add3A_172 = arith.constant 2 : i32
    %add3A_173 = arith.addi %add3A_171, %add3A_172 : i32
    %le3A_174 = arith.constant 780 : i32
    %le3A_175 = arith.cmpi sle, %add3A_173, %le3A_174 : i32
    %convert_element_type3A_176 = arith.extui %le3A_175 : i1 to i32
    %cond3A_177 = arith.constant 0 : i32
    %cond3A_178 = arith.cmpi ne, %convert_element_type3A_176, %cond3A_177 : i32
    scf.if %cond3A_178 {
      %add3A_409 = arith.constant 8 : i32
      %add3A_410 = arith.addi %add3A_13, %add3A_409 : i32
      %mul3A_411 = arith.constant 128 : i32
      %mul3A_412 = arith.muli %add3A_410, %mul3A_411 : i32
      %dma_start3A = arith.constant 0 : i32
      %dma_start3A_413 = arith.constant 0 : i32
      %dma_start3A_414 = arith.constant 0 : i32
      %dma_start3A_415 = tpu.memref_slice %arg5[%dma_start3A, %dma_start3A_413, %dma_start3A_414] : memref<4x128x128xf32, #tpu.memory_space<vmem>> -> memref<1x128x128xf32, #tpu.memory_space<vmem>>
      %dma_start3A_416 = tpu.memref_squeeze %dma_start3A_415 : memref<1x128x128xf32, #tpu.memory_space<vmem>> -> memref<128x128xf32, #tpu.memory_space<vmem>>
      %dma_start3A_417 = arith.constant 0 : i32
      %dma_start3A_418 = tpu.memref_slice %arg2[%mul3A_412, %dma_start3A_417] : memref<100000x128xf32, #tpu.memory_space<hbm>> -> memref<128x128xf32, #tpu.memory_space<hbm>>
      %dma_start3A_419 = arith.constant 0 : i32
      %dma_start3A_420 = arith.constant 0 : i32
      %dma_start3A_421 = tpu.memref_slice %arg5[%dma_start3A, %dma_start3A_419, %dma_start3A_420] : memref<4x128x128xf32, #tpu.memory_space<vmem>> -> memref<1x128x128xf32, #tpu.memory_space<vmem>>
      %dma_start3A_422 = tpu.memref_squeeze %dma_start3A_421 : memref<1x128x128xf32, #tpu.memory_space<vmem>> -> memref<128x128xf32, #tpu.memory_space<vmem>>
      %dma_start3A_423 = arith.constant 0 : i32
      %dma_start3A_424 = tpu.memref_slice %arg2[%mul3A_412, %dma_start3A_423] : memref<100000x128xf32, #tpu.memory_space<hbm>> -> memref<128x128xf32, #tpu.memory_space<hbm>>
      tpu.enqueue_dma source(%dma_start3A_424 : memref<128x128xf32, #tpu.memory_space<hbm>>) target(%dma_start3A_422 : memref<128x128xf32, #tpu.memory_space<vmem>>) target_semaphore(%arg8 : memref<!tpu.dma_semaphore, #tpu.memory_space<semaphore_mem>>)
    } else {
    }
    %add3A_179 = arith.constant 7 : i32
    %add3A_180 = arith.addi %add3A_13, %add3A_179 : i32
    %le3A_181 = arith.constant 780 : i32
    %le3A_182 = arith.cmpi sle, %add3A_180, %le3A_181 : i32
    %convert_element_type3A_183 = arith.extui %le3A_182 : i1 to i32
    %cond3A_184 = arith.constant 0 : i32
    %cond3A_185 = arith.cmpi ne, %convert_element_type3A_183, %cond3A_184 : i32
    scf.if %cond3A_185 {
      %dma_wait3A = arith.constant 3 : i32
      %dma_wait3A_409 = arith.constant 0 : i32
      %dma_wait3A_410 = arith.constant 0 : i32
      %dma_wait3A_411 = tpu.memref_slice %arg5[%dma_wait3A, %dma_wait3A_409, %dma_wait3A_410] : memref<4x128x128xf32, #tpu.memory_space<vmem>> -> memref<1x128x128xf32, #tpu.memory_space<vmem>>
      %dma_wait3A_412 = tpu.memref_squeeze %dma_wait3A_411 : memref<1x128x128xf32, #tpu.memory_space<vmem>> -> memref<128x128xf32, #tpu.memory_space<vmem>>
      %dma_wait3A_413 = arith.constant 0 : i32
      %dma_wait3A_414 = arith.constant 0 : i32
      %dma_wait3A_415 = tpu.memref_slice %arg2[%dma_wait3A_413, %dma_wait3A_414] : memref<100000x128xf32, #tpu.memory_space<hbm>> -> memref<128x128xf32, #tpu.memory_space<hbm>>
      %dma_wait3A_416 = arith.constant 0 : i32
      %dma_wait3A_417 = arith.constant 0 : i32
      %dma_wait3A_418 = tpu.memref_slice %arg5[%dma_wait3A, %dma_wait3A_416, %dma_wait3A_417] : memref<4x128x128xf32, #tpu.memory_space<vmem>> -> memref<1x128x128xf32, #tpu.memory_space<vmem>>
      %dma_wait3A_419 = tpu.memref_squeeze %dma_wait3A_418 : memref<1x128x128xf32, #tpu.memory_space<vmem>> -> memref<128x128xf32, #tpu.memory_space<vmem>>
      %dma_wait3A_420 = arith.constant 0 : i32
      %dma_wait3A_421 = arith.constant 0 : i32
      %dma_wait3A_422 = tpu.memref_slice %arg2[%dma_wait3A_420, %dma_wait3A_421] : memref<100000x128xf32, #tpu.memory_space<hbm>> -> memref<128x128xf32, #tpu.memory_space<hbm>>
      tpu.wait_dma2 semaphore(%arg11 : memref<!tpu.dma_semaphore, #tpu.memory_space<semaphore_mem>>) src(%dma_wait3A_422 : memref<128x128xf32, #tpu.memory_space<hbm>>) dst(%dma_wait3A_419 : memref<128x128xf32, #tpu.memory_space<vmem>>)
      %dma_start3A = arith.constant 3 : i32
      %dma_start3A_423 = arith.constant 7 : i32
      %dma_start3A_424 = arith.constant 0 : i32
      %dma_start3A_425 = arith.constant 0 : i32
      %dma_start3A_426 = tpu.memref_slice %arg5[%dma_start3A, %dma_start3A_424, %dma_start3A_425] : memref<4x128x128xf32, #tpu.memory_space<vmem>> -> memref<1x128x128xf32, #tpu.memory_space<vmem>>
      %dma_start3A_427 = tpu.memref_squeeze %dma_start3A_426 : memref<1x128x128xf32, #tpu.memory_space<vmem>> -> memref<128x128xf32, #tpu.memory_space<vmem>>
      %dma_start3A_428 = arith.constant 0 : i32
      %dma_start3A_429 = tpu.memref_slice %arg6[%dma_start3A_423, %dma_start3A_428] : memref<32x128xi32, #tpu.memory_space<vmem>> -> memref<1x128xi32, #tpu.memory_space<vmem>>
      %dma_start3A_430 = tpu.memref_squeeze %dma_start3A_429 : memref<1x128xi32, #tpu.memory_space<vmem>> -> memref<128xi32, #tpu.memory_space<vmem>>
      %dma_start3A_431 = arith.constant 0 : i32
      %dma_start3A_432 = arith.constant 0 : i32
      %dma_start3A_433 = tpu.memref_slice %arg7[%dma_start3A_431, %dma_start3A_432] : memref<1024x128xf32, #tpu.memory_space<vmem_shared>> -> memref<1024x128xf32, #tpu.memory_space<vmem_shared>>
      tpu.enqueue_indirect_dma source(%dma_start3A_427 : memref<128x128xf32, #tpu.memory_space<vmem>>) target(%dma_start3A_433 : memref<1024x128xf32, #tpu.memory_space<vmem_shared>>) offsets(%dma_start3A_430 : memref<128xi32, #tpu.memory_space<vmem>>) semaphore(%arg13 : memref<!tpu.dma_semaphore, #tpu.memory_space<semaphore_mem>>) {add = true}
    } else {
    }
    %add3A_186 = arith.constant 7 : i32
    %add3A_187 = arith.addi %add3A_13, %add3A_186 : i32
    %sub3A_188 = arith.constant 2 : i32
    %sub3A_189 = arith.subi %add3A_187, %sub3A_188 : i32
    %le3A_190 = arith.constant 780 : i32
    %le3A_191 = arith.cmpi sle, %sub3A_189, %le3A_190 : i32
    %convert_element_type3A_192 = arith.extui %le3A_191 : i1 to i32
    %cond3A_193 = arith.constant 0 : i32
    %cond3A_194 = arith.cmpi ne, %convert_element_type3A_192, %cond3A_193 : i32
    scf.if %cond3A_194 {
      %dma_wait3A = arith.constant 1 : i32
      %dma_wait3A_409 = arith.constant 5 : i32
      %dma_wait3A_410 = arith.constant 0 : i32
      %dma_wait3A_411 = arith.constant 0 : i32
      %dma_wait3A_412 = tpu.memref_slice %arg5[%dma_wait3A, %dma_wait3A_410, %dma_wait3A_411] : memref<4x128x128xf32, #tpu.memory_space<vmem>> -> memref<1x128x128xf32, #tpu.memory_space<vmem>>
      %dma_wait3A_413 = tpu.memref_squeeze %dma_wait3A_412 : memref<1x128x128xf32, #tpu.memory_space<vmem>> -> memref<128x128xf32, #tpu.memory_space<vmem>>
      %dma_wait3A_414 = arith.constant 0 : i32
      %dma_wait3A_415 = tpu.memref_slice %arg6[%dma_wait3A_409, %dma_wait3A_414] : memref<32x128xi32, #tpu.memory_space<vmem>> -> memref<1x128xi32, #tpu.memory_space<vmem>>
      %dma_wait3A_416 = tpu.memref_squeeze %dma_wait3A_415 : memref<1x128xi32, #tpu.memory_space<vmem>> -> memref<128xi32, #tpu.memory_space<vmem>>
      %dma_wait3A_417 = arith.constant 0 : i32
      %dma_wait3A_418 = arith.constant 0 : i32
      %dma_wait3A_419 = tpu.memref_slice %arg7[%dma_wait3A_417, %dma_wait3A_418] : memref<1024x128xf32, #tpu.memory_space<vmem_shared>> -> memref<1024x128xf32, #tpu.memory_space<vmem_shared>>
      tpu.wait_indirect_dma semaphore(%arg13 : memref<!tpu.dma_semaphore, #tpu.memory_space<semaphore_mem>>) src(%dma_wait3A_413 : memref<128x128xf32, #tpu.memory_space<vmem>>) dst(%dma_wait3A_419 : memref<1024x128xf32, #tpu.memory_space<vmem_shared>>)
    } else {
    }
    %add3A_195 = arith.constant 7 : i32
    %add3A_196 = arith.addi %add3A_13, %add3A_195 : i32
    %add3A_197 = arith.constant 2 : i32
    %add3A_198 = arith.addi %add3A_196, %add3A_197 : i32
    %le3A_199 = arith.constant 780 : i32
    %le3A_200 = arith.cmpi sle, %add3A_198, %le3A_199 : i32
    %convert_element_type3A_201 = arith.extui %le3A_200 : i1 to i32
    %cond3A_202 = arith.constant 0 : i32
    %cond3A_203 = arith.cmpi ne, %convert_element_type3A_201, %cond3A_202 : i32
    scf.if %cond3A_203 {
      %add3A_409 = arith.constant 9 : i32
      %add3A_410 = arith.addi %add3A_13, %add3A_409 : i32
      %mul3A_411 = arith.constant 128 : i32
      %mul3A_412 = arith.muli %add3A_410, %mul3A_411 : i32
      %dma_start3A = arith.constant 1 : i32
      %dma_start3A_413 = arith.constant 0 : i32
      %dma_start3A_414 = arith.constant 0 : i32
      %dma_start3A_415 = tpu.memref_slice %arg5[%dma_start3A, %dma_start3A_413, %dma_start3A_414] : memref<4x128x128xf32, #tpu.memory_space<vmem>> -> memref<1x128x128xf32, #tpu.memory_space<vmem>>
      %dma_start3A_416 = tpu.memref_squeeze %dma_start3A_415 : memref<1x128x128xf32, #tpu.memory_space<vmem>> -> memref<128x128xf32, #tpu.memory_space<vmem>>
      %dma_start3A_417 = arith.constant 0 : i32
      %dma_start3A_418 = tpu.memref_slice %arg2[%mul3A_412, %dma_start3A_417] : memref<100000x128xf32, #tpu.memory_space<hbm>> -> memref<128x128xf32, #tpu.memory_space<hbm>>
      %dma_start3A_419 = arith.constant 0 : i32
      %dma_start3A_420 = arith.constant 0 : i32
      %dma_start3A_421 = tpu.memref_slice %arg5[%dma_start3A, %dma_start3A_419, %dma_start3A_420] : memref<4x128x128xf32, #tpu.memory_space<vmem>> -> memref<1x128x128xf32, #tpu.memory_space<vmem>>
      %dma_start3A_422 = tpu.memref_squeeze %dma_start3A_421 : memref<1x128x128xf32, #tpu.memory_space<vmem>> -> memref<128x128xf32, #tpu.memory_space<vmem>>
      %dma_start3A_423 = arith.constant 0 : i32
      %dma_start3A_424 = tpu.memref_slice %arg2[%mul3A_412, %dma_start3A_423] : memref<100000x128xf32, #tpu.memory_space<hbm>> -> memref<128x128xf32, #tpu.memory_space<hbm>>
      tpu.enqueue_dma source(%dma_start3A_424 : memref<128x128xf32, #tpu.memory_space<hbm>>) target(%dma_start3A_422 : memref<128x128xf32, #tpu.memory_space<vmem>>) target_semaphore(%arg9 : memref<!tpu.dma_semaphore, #tpu.memory_space<semaphore_mem>>)
    } else {
    }
    %add3A_204 = arith.constant 8 : i32
    %add3A_205 = arith.addi %add3A_13, %add3A_204 : i32
    %le3A_206 = arith.constant 780 : i32
    %le3A_207 = arith.cmpi sle, %add3A_205, %le3A_206 : i32
    %convert_element_type3A_208 = arith.extui %le3A_207 : i1 to i32
    %cond3A_209 = arith.constant 0 : i32
    %cond3A_210 = arith.cmpi ne, %convert_element_type3A_208, %cond3A_209 : i32
    scf.if %cond3A_210 {
      %dma_wait3A = arith.constant 0 : i32
      %dma_wait3A_409 = arith.constant 0 : i32
      %dma_wait3A_410 = arith.constant 0 : i32
      %dma_wait3A_411 = tpu.memref_slice %arg5[%dma_wait3A, %dma_wait3A_409, %dma_wait3A_410] : memref<4x128x128xf32, #tpu.memory_space<vmem>> -> memref<1x128x128xf32, #tpu.memory_space<vmem>>
      %dma_wait3A_412 = tpu.memref_squeeze %dma_wait3A_411 : memref<1x128x128xf32, #tpu.memory_space<vmem>> -> memref<128x128xf32, #tpu.memory_space<vmem>>
      %dma_wait3A_413 = arith.constant 0 : i32
      %dma_wait3A_414 = arith.constant 0 : i32
      %dma_wait3A_415 = tpu.memref_slice %arg2[%dma_wait3A_413, %dma_wait3A_414] : memref<100000x128xf32, #tpu.memory_space<hbm>> -> memref<128x128xf32, #tpu.memory_space<hbm>>
      %dma_wait3A_416 = arith.constant 0 : i32
      %dma_wait3A_417 = arith.constant 0 : i32
      %dma_wait3A_418 = tpu.memref_slice %arg5[%dma_wait3A, %dma_wait3A_416, %dma_wait3A_417] : memref<4x128x128xf32, #tpu.memory_space<vmem>> -> memref<1x128x128xf32, #tpu.memory_space<vmem>>
      %dma_wait3A_419 = tpu.memref_squeeze %dma_wait3A_418 : memref<1x128x128xf32, #tpu.memory_space<vmem>> -> memref<128x128xf32, #tpu.memory_space<vmem>>
      %dma_wait3A_420 = arith.constant 0 : i32
      %dma_wait3A_421 = arith.constant 0 : i32
      %dma_wait3A_422 = tpu.memref_slice %arg2[%dma_wait3A_420, %dma_wait3A_421] : memref<100000x128xf32, #tpu.memory_space<hbm>> -> memref<128x128xf32, #tpu.memory_space<hbm>>
      tpu.wait_dma2 semaphore(%arg8 : memref<!tpu.dma_semaphore, #tpu.memory_space<semaphore_mem>>) src(%dma_wait3A_422 : memref<128x128xf32, #tpu.memory_space<hbm>>) dst(%dma_wait3A_419 : memref<128x128xf32, #tpu.memory_space<vmem>>)
      %dma_start3A = arith.constant 0 : i32
      %dma_start3A_423 = arith.constant 8 : i32
      %dma_start3A_424 = arith.constant 0 : i32
      %dma_start3A_425 = arith.constant 0 : i32
      %dma_start3A_426 = tpu.memref_slice %arg5[%dma_start3A, %dma_start3A_424, %dma_start3A_425] : memref<4x128x128xf32, #tpu.memory_space<vmem>> -> memref<1x128x128xf32, #tpu.memory_space<vmem>>
      %dma_start3A_427 = tpu.memref_squeeze %dma_start3A_426 : memref<1x128x128xf32, #tpu.memory_space<vmem>> -> memref<128x128xf32, #tpu.memory_space<vmem>>
      %dma_start3A_428 = arith.constant 0 : i32
      %dma_start3A_429 = tpu.memref_slice %arg6[%dma_start3A_423, %dma_start3A_428] : memref<32x128xi32, #tpu.memory_space<vmem>> -> memref<1x128xi32, #tpu.memory_space<vmem>>
      %dma_start3A_430 = tpu.memref_squeeze %dma_start3A_429 : memref<1x128xi32, #tpu.memory_space<vmem>> -> memref<128xi32, #tpu.memory_space<vmem>>
      %dma_start3A_431 = arith.constant 0 : i32
      %dma_start3A_432 = arith.constant 0 : i32
      %dma_start3A_433 = tpu.memref_slice %arg7[%dma_start3A_431, %dma_start3A_432] : memref<1024x128xf32, #tpu.memory_space<vmem_shared>> -> memref<1024x128xf32, #tpu.memory_space<vmem_shared>>
      tpu.enqueue_indirect_dma source(%dma_start3A_427 : memref<128x128xf32, #tpu.memory_space<vmem>>) target(%dma_start3A_433 : memref<1024x128xf32, #tpu.memory_space<vmem_shared>>) offsets(%dma_start3A_430 : memref<128xi32, #tpu.memory_space<vmem>>) semaphore(%arg12 : memref<!tpu.dma_semaphore, #tpu.memory_space<semaphore_mem>>) {add = true}
    } else {
    }
    %add3A_211 = arith.constant 8 : i32
    %add3A_212 = arith.addi %add3A_13, %add3A_211 : i32
    %sub3A_213 = arith.constant 2 : i32
    %sub3A_214 = arith.subi %add3A_212, %sub3A_213 : i32
    %le3A_215 = arith.constant 780 : i32
    %le3A_216 = arith.cmpi sle, %sub3A_214, %le3A_215 : i32
    %convert_element_type3A_217 = arith.extui %le3A_216 : i1 to i32
    %cond3A_218 = arith.constant 0 : i32
    %cond3A_219 = arith.cmpi ne, %convert_element_type3A_217, %cond3A_218 : i32
    scf.if %cond3A_219 {
      %dma_wait3A = arith.constant 2 : i32
      %dma_wait3A_409 = arith.constant 6 : i32
      %dma_wait3A_410 = arith.constant 0 : i32
      %dma_wait3A_411 = arith.constant 0 : i32
      %dma_wait3A_412 = tpu.memref_slice %arg5[%dma_wait3A, %dma_wait3A_410, %dma_wait3A_411] : memref<4x128x128xf32, #tpu.memory_space<vmem>> -> memref<1x128x128xf32, #tpu.memory_space<vmem>>
      %dma_wait3A_413 = tpu.memref_squeeze %dma_wait3A_412 : memref<1x128x128xf32, #tpu.memory_space<vmem>> -> memref<128x128xf32, #tpu.memory_space<vmem>>
      %dma_wait3A_414 = arith.constant 0 : i32
      %dma_wait3A_415 = tpu.memref_slice %arg6[%dma_wait3A_409, %dma_wait3A_414] : memref<32x128xi32, #tpu.memory_space<vmem>> -> memref<1x128xi32, #tpu.memory_space<vmem>>
      %dma_wait3A_416 = tpu.memref_squeeze %dma_wait3A_415 : memref<1x128xi32, #tpu.memory_space<vmem>> -> memref<128xi32, #tpu.memory_space<vmem>>
      %dma_wait3A_417 = arith.constant 0 : i32
      %dma_wait3A_418 = arith.constant 0 : i32
      %dma_wait3A_419 = tpu.memref_slice %arg7[%dma_wait3A_417, %dma_wait3A_418] : memref<1024x128xf32, #tpu.memory_space<vmem_shared>> -> memref<1024x128xf32, #tpu.memory_space<vmem_shared>>
      tpu.wait_indirect_dma semaphore(%arg12 : memref<!tpu.dma_semaphore, #tpu.memory_space<semaphore_mem>>) src(%dma_wait3A_413 : memref<128x128xf32, #tpu.memory_space<vmem>>) dst(%dma_wait3A_419 : memref<1024x128xf32, #tpu.memory_space<vmem_shared>>)
    } else {
    }
    %add3A_220 = arith.constant 8 : i32
    %add3A_221 = arith.addi %add3A_13, %add3A_220 : i32
    %add3A_222 = arith.constant 2 : i32
    %add3A_223 = arith.addi %add3A_221, %add3A_222 : i32
    %le3A_224 = arith.constant 780 : i32
    %le3A_225 = arith.cmpi sle, %add3A_223, %le3A_224 : i32
    %convert_element_type3A_226 = arith.extui %le3A_225 : i1 to i32
    %cond3A_227 = arith.constant 0 : i32
    %cond3A_228 = arith.cmpi ne, %convert_element_type3A_226, %cond3A_227 : i32
    scf.if %cond3A_228 {
      %add3A_409 = arith.constant 10 : i32
      %add3A_410 = arith.addi %add3A_13, %add3A_409 : i32
      %mul3A_411 = arith.constant 128 : i32
      %mul3A_412 = arith.muli %add3A_410, %mul3A_411 : i32
      %dma_start3A = arith.constant 2 : i32
      %dma_start3A_413 = arith.constant 0 : i32
      %dma_start3A_414 = arith.constant 0 : i32
      %dma_start3A_415 = tpu.memref_slice %arg5[%dma_start3A, %dma_start3A_413, %dma_start3A_414] : memref<4x128x128xf32, #tpu.memory_space<vmem>> -> memref<1x128x128xf32, #tpu.memory_space<vmem>>
      %dma_start3A_416 = tpu.memref_squeeze %dma_start3A_415 : memref<1x128x128xf32, #tpu.memory_space<vmem>> -> memref<128x128xf32, #tpu.memory_space<vmem>>
      %dma_start3A_417 = arith.constant 0 : i32
      %dma_start3A_418 = tpu.memref_slice %arg2[%mul3A_412, %dma_start3A_417] : memref<100000x128xf32, #tpu.memory_space<hbm>> -> memref<128x128xf32, #tpu.memory_space<hbm>>
      %dma_start3A_419 = arith.constant 0 : i32
      %dma_start3A_420 = arith.constant 0 : i32
      %dma_start3A_421 = tpu.memref_slice %arg5[%dma_start3A, %dma_start3A_419, %dma_start3A_420] : memref<4x128x128xf32, #tpu.memory_space<vmem>> -> memref<1x128x128xf32, #tpu.memory_space<vmem>>
      %dma_start3A_422 = tpu.memref_squeeze %dma_start3A_421 : memref<1x128x128xf32, #tpu.memory_space<vmem>> -> memref<128x128xf32, #tpu.memory_space<vmem>>
      %dma_start3A_423 = arith.constant 0 : i32
      %dma_start3A_424 = tpu.memref_slice %arg2[%mul3A_412, %dma_start3A_423] : memref<100000x128xf32, #tpu.memory_space<hbm>> -> memref<128x128xf32, #tpu.memory_space<hbm>>
      tpu.enqueue_dma source(%dma_start3A_424 : memref<128x128xf32, #tpu.memory_space<hbm>>) target(%dma_start3A_422 : memref<128x128xf32, #tpu.memory_space<vmem>>) target_semaphore(%arg10 : memref<!tpu.dma_semaphore, #tpu.memory_space<semaphore_mem>>)
    } else {
    }
    %add3A_229 = arith.constant 9 : i32
    %add3A_230 = arith.addi %add3A_13, %add3A_229 : i32
    %le3A_231 = arith.constant 780 : i32
    %le3A_232 = arith.cmpi sle, %add3A_230, %le3A_231 : i32
    %convert_element_type3A_233 = arith.extui %le3A_232 : i1 to i32
    %cond3A_234 = arith.constant 0 : i32
    %cond3A_235 = arith.cmpi ne, %convert_element_type3A_233, %cond3A_234 : i32
    scf.if %cond3A_235 {
      %dma_wait3A = arith.constant 1 : i32
      %dma_wait3A_409 = arith.constant 0 : i32
      %dma_wait3A_410 = arith.constant 0 : i32
      %dma_wait3A_411 = tpu.memref_slice %arg5[%dma_wait3A, %dma_wait3A_409, %dma_wait3A_410] : memref<4x128x128xf32, #tpu.memory_space<vmem>> -> memref<1x128x128xf32, #tpu.memory_space<vmem>>
      %dma_wait3A_412 = tpu.memref_squeeze %dma_wait3A_411 : memref<1x128x128xf32, #tpu.memory_space<vmem>> -> memref<128x128xf32, #tpu.memory_space<vmem>>
      %dma_wait3A_413 = arith.constant 0 : i32
      %dma_wait3A_414 = arith.constant 0 : i32
      %dma_wait3A_415 = tpu.memref_slice %arg2[%dma_wait3A_413, %dma_wait3A_414] : memref<100000x128xf32, #tpu.memory_space<hbm>> -> memref<128x128xf32, #tpu.memory_space<hbm>>
      %dma_wait3A_416 = arith.constant 0 : i32
      %dma_wait3A_417 = arith.constant 0 : i32
      %dma_wait3A_418 = tpu.memref_slice %arg5[%dma_wait3A, %dma_wait3A_416, %dma_wait3A_417] : memref<4x128x128xf32, #tpu.memory_space<vmem>> -> memref<1x128x128xf32, #tpu.memory_space<vmem>>
      %dma_wait3A_419 = tpu.memref_squeeze %dma_wait3A_418 : memref<1x128x128xf32, #tpu.memory_space<vmem>> -> memref<128x128xf32, #tpu.memory_space<vmem>>
      %dma_wait3A_420 = arith.constant 0 : i32
      %dma_wait3A_421 = arith.constant 0 : i32
      %dma_wait3A_422 = tpu.memref_slice %arg2[%dma_wait3A_420, %dma_wait3A_421] : memref<100000x128xf32, #tpu.memory_space<hbm>> -> memref<128x128xf32, #tpu.memory_space<hbm>>
      tpu.wait_dma2 semaphore(%arg9 : memref<!tpu.dma_semaphore, #tpu.memory_space<semaphore_mem>>) src(%dma_wait3A_422 : memref<128x128xf32, #tpu.memory_space<hbm>>) dst(%dma_wait3A_419 : memref<128x128xf32, #tpu.memory_space<vmem>>)
      %dma_start3A = arith.constant 1 : i32
      %dma_start3A_423 = arith.constant 9 : i32
      %dma_start3A_424 = arith.constant 0 : i32
      %dma_start3A_425 = arith.constant 0 : i32
      %dma_start3A_426 = tpu.memref_slice %arg5[%dma_start3A, %dma_start3A_424, %dma_start3A_425] : memref<4x128x128xf32, #tpu.memory_space<vmem>> -> memref<1x128x128xf32, #tpu.memory_space<vmem>>
      %dma_start3A_427 = tpu.memref_squeeze %dma_start3A_426 : memref<1x128x128xf32, #tpu.memory_space<vmem>> -> memref<128x128xf32, #tpu.memory_space<vmem>>
      %dma_start3A_428 = arith.constant 0 : i32
      %dma_start3A_429 = tpu.memref_slice %arg6[%dma_start3A_423, %dma_start3A_428] : memref<32x128xi32, #tpu.memory_space<vmem>> -> memref<1x128xi32, #tpu.memory_space<vmem>>
      %dma_start3A_430 = tpu.memref_squeeze %dma_start3A_429 : memref<1x128xi32, #tpu.memory_space<vmem>> -> memref<128xi32, #tpu.memory_space<vmem>>
      %dma_start3A_431 = arith.constant 0 : i32
      %dma_start3A_432 = arith.constant 0 : i32
      %dma_start3A_433 = tpu.memref_slice %arg7[%dma_start3A_431, %dma_start3A_432] : memref<1024x128xf32, #tpu.memory_space<vmem_shared>> -> memref<1024x128xf32, #tpu.memory_space<vmem_shared>>
      tpu.enqueue_indirect_dma source(%dma_start3A_427 : memref<128x128xf32, #tpu.memory_space<vmem>>) target(%dma_start3A_433 : memref<1024x128xf32, #tpu.memory_space<vmem_shared>>) offsets(%dma_start3A_430 : memref<128xi32, #tpu.memory_space<vmem>>) semaphore(%arg13 : memref<!tpu.dma_semaphore, #tpu.memory_space<semaphore_mem>>) {add = true}
    } else {
    }
    %add3A_236 = arith.constant 9 : i32
    %add3A_237 = arith.addi %add3A_13, %add3A_236 : i32
    %sub3A_238 = arith.constant 2 : i32
    %sub3A_239 = arith.subi %add3A_237, %sub3A_238 : i32
    %le3A_240 = arith.constant 780 : i32
    %le3A_241 = arith.cmpi sle, %sub3A_239, %le3A_240 : i32
    %convert_element_type3A_242 = arith.extui %le3A_241 : i1 to i32
    %cond3A_243 = arith.constant 0 : i32
    %cond3A_244 = arith.cmpi ne, %convert_element_type3A_242, %cond3A_243 : i32
    scf.if %cond3A_244 {
      %dma_wait3A = arith.constant 3 : i32
      %dma_wait3A_409 = arith.constant 7 : i32
      %dma_wait3A_410 = arith.constant 0 : i32
      %dma_wait3A_411 = arith.constant 0 : i32
      %dma_wait3A_412 = tpu.memref_slice %arg5[%dma_wait3A, %dma_wait3A_410, %dma_wait3A_411] : memref<4x128x128xf32, #tpu.memory_space<vmem>> -> memref<1x128x128xf32, #tpu.memory_space<vmem>>
      %dma_wait3A_413 = tpu.memref_squeeze %dma_wait3A_412 : memref<1x128x128xf32, #tpu.memory_space<vmem>> -> memref<128x128xf32, #tpu.memory_space<vmem>>
      %dma_wait3A_414 = arith.constant 0 : i32
      %dma_wait3A_415 = tpu.memref_slice %arg6[%dma_wait3A_409, %dma_wait3A_414] : memref<32x128xi32, #tpu.memory_space<vmem>> -> memref<1x128xi32, #tpu.memory_space<vmem>>
      %dma_wait3A_416 = tpu.memref_squeeze %dma_wait3A_415 : memref<1x128xi32, #tpu.memory_space<vmem>> -> memref<128xi32, #tpu.memory_space<vmem>>
      %dma_wait3A_417 = arith.constant 0 : i32
      %dma_wait3A_418 = arith.constant 0 : i32
      %dma_wait3A_419 = tpu.memref_slice %arg7[%dma_wait3A_417, %dma_wait3A_418] : memref<1024x128xf32, #tpu.memory_space<vmem_shared>> -> memref<1024x128xf32, #tpu.memory_space<vmem_shared>>
      tpu.wait_indirect_dma semaphore(%arg13 : memref<!tpu.dma_semaphore, #tpu.memory_space<semaphore_mem>>) src(%dma_wait3A_413 : memref<128x128xf32, #tpu.memory_space<vmem>>) dst(%dma_wait3A_419 : memref<1024x128xf32, #tpu.memory_space<vmem_shared>>)
    } else {
    }
    %add3A_245 = arith.constant 9 : i32
    %add3A_246 = arith.addi %add3A_13, %add3A_245 : i32
    %add3A_247 = arith.constant 2 : i32
    %add3A_248 = arith.addi %add3A_246, %add3A_247 : i32
    %le3A_249 = arith.constant 780 : i32
    %le3A_250 = arith.cmpi sle, %add3A_248, %le3A_249 : i32
    %convert_element_type3A_251 = arith.extui %le3A_250 : i1 to i32
    %cond3A_252 = arith.constant 0 : i32
    %cond3A_253 = arith.cmpi ne, %convert_element_type3A_251, %cond3A_252 : i32
    scf.if %cond3A_253 {
      %add3A_409 = arith.constant 11 : i32
      %add3A_410 = arith.addi %add3A_13, %add3A_409 : i32
      %mul3A_411 = arith.constant 128 : i32
      %mul3A_412 = arith.muli %add3A_410, %mul3A_411 : i32
      %dma_start3A = arith.constant 3 : i32
      %dma_start3A_413 = arith.constant 0 : i32
      %dma_start3A_414 = arith.constant 0 : i32
      %dma_start3A_415 = tpu.memref_slice %arg5[%dma_start3A, %dma_start3A_413, %dma_start3A_414] : memref<4x128x128xf32, #tpu.memory_space<vmem>> -> memref<1x128x128xf32, #tpu.memory_space<vmem>>
      %dma_start3A_416 = tpu.memref_squeeze %dma_start3A_415 : memref<1x128x128xf32, #tpu.memory_space<vmem>> -> memref<128x128xf32, #tpu.memory_space<vmem>>
      %dma_start3A_417 = arith.constant 0 : i32
      %dma_start3A_418 = tpu.memref_slice %arg2[%mul3A_412, %dma_start3A_417] : memref<100000x128xf32, #tpu.memory_space<hbm>> -> memref<128x128xf32, #tpu.memory_space<hbm>>
      %dma_start3A_419 = arith.constant 0 : i32
      %dma_start3A_420 = arith.constant 0 : i32
      %dma_start3A_421 = tpu.memref_slice %arg5[%dma_start3A, %dma_start3A_419, %dma_start3A_420] : memref<4x128x128xf32, #tpu.memory_space<vmem>> -> memref<1x128x128xf32, #tpu.memory_space<vmem>>
      %dma_start3A_422 = tpu.memref_squeeze %dma_start3A_421 : memref<1x128x128xf32, #tpu.memory_space<vmem>> -> memref<128x128xf32, #tpu.memory_space<vmem>>
      %dma_start3A_423 = arith.constant 0 : i32
      %dma_start3A_424 = tpu.memref_slice %arg2[%mul3A_412, %dma_start3A_423] : memref<100000x128xf32, #tpu.memory_space<hbm>> -> memref<128x128xf32, #tpu.memory_space<hbm>>
      tpu.enqueue_dma source(%dma_start3A_424 : memref<128x128xf32, #tpu.memory_space<hbm>>) target(%dma_start3A_422 : memref<128x128xf32, #tpu.memory_space<vmem>>) target_semaphore(%arg11 : memref<!tpu.dma_semaphore, #tpu.memory_space<semaphore_mem>>)
    } else {
    }
    %add3A_254 = arith.constant 10 : i32
    %add3A_255 = arith.addi %add3A_13, %add3A_254 : i32
    %le3A_256 = arith.constant 780 : i32
    %le3A_257 = arith.cmpi sle, %add3A_255, %le3A_256 : i32
    %convert_element_type3A_258 = arith.extui %le3A_257 : i1 to i32
    %cond3A_259 = arith.constant 0 : i32
    %cond3A_260 = arith.cmpi ne, %convert_element_type3A_258, %cond3A_259 : i32
    scf.if %cond3A_260 {
      %dma_wait3A = arith.constant 2 : i32
      %dma_wait3A_409 = arith.constant 0 : i32
      %dma_wait3A_410 = arith.constant 0 : i32
      %dma_wait3A_411 = tpu.memref_slice %arg5[%dma_wait3A, %dma_wait3A_409, %dma_wait3A_410] : memref<4x128x128xf32, #tpu.memory_space<vmem>> -> memref<1x128x128xf32, #tpu.memory_space<vmem>>
      %dma_wait3A_412 = tpu.memref_squeeze %dma_wait3A_411 : memref<1x128x128xf32, #tpu.memory_space<vmem>> -> memref<128x128xf32, #tpu.memory_space<vmem>>
      %dma_wait3A_413 = arith.constant 0 : i32
      %dma_wait3A_414 = arith.constant 0 : i32
      %dma_wait3A_415 = tpu.memref_slice %arg2[%dma_wait3A_413, %dma_wait3A_414] : memref<100000x128xf32, #tpu.memory_space<hbm>> -> memref<128x128xf32, #tpu.memory_space<hbm>>
      %dma_wait3A_416 = arith.constant 0 : i32
      %dma_wait3A_417 = arith.constant 0 : i32
      %dma_wait3A_418 = tpu.memref_slice %arg5[%dma_wait3A, %dma_wait3A_416, %dma_wait3A_417] : memref<4x128x128xf32, #tpu.memory_space<vmem>> -> memref<1x128x128xf32, #tpu.memory_space<vmem>>
      %dma_wait3A_419 = tpu.memref_squeeze %dma_wait3A_418 : memref<1x128x128xf32, #tpu.memory_space<vmem>> -> memref<128x128xf32, #tpu.memory_space<vmem>>
      %dma_wait3A_420 = arith.constant 0 : i32
      %dma_wait3A_421 = arith.constant 0 : i32
      %dma_wait3A_422 = tpu.memref_slice %arg2[%dma_wait3A_420, %dma_wait3A_421] : memref<100000x128xf32, #tpu.memory_space<hbm>> -> memref<128x128xf32, #tpu.memory_space<hbm>>
      tpu.wait_dma2 semaphore(%arg10 : memref<!tpu.dma_semaphore, #tpu.memory_space<semaphore_mem>>) src(%dma_wait3A_422 : memref<128x128xf32, #tpu.memory_space<hbm>>) dst(%dma_wait3A_419 : memref<128x128xf32, #tpu.memory_space<vmem>>)
      %dma_start3A = arith.constant 2 : i32
      %dma_start3A_423 = arith.constant 10 : i32
      %dma_start3A_424 = arith.constant 0 : i32
      %dma_start3A_425 = arith.constant 0 : i32
      %dma_start3A_426 = tpu.memref_slice %arg5[%dma_start3A, %dma_start3A_424, %dma_start3A_425] : memref<4x128x128xf32, #tpu.memory_space<vmem>> -> memref<1x128x128xf32, #tpu.memory_space<vmem>>
      %dma_start3A_427 = tpu.memref_squeeze %dma_start3A_426 : memref<1x128x128xf32, #tpu.memory_space<vmem>> -> memref<128x128xf32, #tpu.memory_space<vmem>>
      %dma_start3A_428 = arith.constant 0 : i32
      %dma_start3A_429 = tpu.memref_slice %arg6[%dma_start3A_423, %dma_start3A_428] : memref<32x128xi32, #tpu.memory_space<vmem>> -> memref<1x128xi32, #tpu.memory_space<vmem>>
      %dma_start3A_430 = tpu.memref_squeeze %dma_start3A_429 : memref<1x128xi32, #tpu.memory_space<vmem>> -> memref<128xi32, #tpu.memory_space<vmem>>
      %dma_start3A_431 = arith.constant 0 : i32
      %dma_start3A_432 = arith.constant 0 : i32
      %dma_start3A_433 = tpu.memref_slice %arg7[%dma_start3A_431, %dma_start3A_432] : memref<1024x128xf32, #tpu.memory_space<vmem_shared>> -> memref<1024x128xf32, #tpu.memory_space<vmem_shared>>
      tpu.enqueue_indirect_dma source(%dma_start3A_427 : memref<128x128xf32, #tpu.memory_space<vmem>>) target(%dma_start3A_433 : memref<1024x128xf32, #tpu.memory_space<vmem_shared>>) offsets(%dma_start3A_430 : memref<128xi32, #tpu.memory_space<vmem>>) semaphore(%arg12 : memref<!tpu.dma_semaphore, #tpu.memory_space<semaphore_mem>>) {add = true}
    } else {
    }
    %add3A_261 = arith.constant 10 : i32
    %add3A_262 = arith.addi %add3A_13, %add3A_261 : i32
    %sub3A_263 = arith.constant 2 : i32
    %sub3A_264 = arith.subi %add3A_262, %sub3A_263 : i32
    %le3A_265 = arith.constant 780 : i32
    %le3A_266 = arith.cmpi sle, %sub3A_264, %le3A_265 : i32
    %convert_element_type3A_267 = arith.extui %le3A_266 : i1 to i32
    %cond3A_268 = arith.constant 0 : i32
    %cond3A_269 = arith.cmpi ne, %convert_element_type3A_267, %cond3A_268 : i32
    scf.if %cond3A_269 {
      %dma_wait3A = arith.constant 0 : i32
      %dma_wait3A_409 = arith.constant 8 : i32
      %dma_wait3A_410 = arith.constant 0 : i32
      %dma_wait3A_411 = arith.constant 0 : i32
      %dma_wait3A_412 = tpu.memref_slice %arg5[%dma_wait3A, %dma_wait3A_410, %dma_wait3A_411] : memref<4x128x128xf32, #tpu.memory_space<vmem>> -> memref<1x128x128xf32, #tpu.memory_space<vmem>>
      %dma_wait3A_413 = tpu.memref_squeeze %dma_wait3A_412 : memref<1x128x128xf32, #tpu.memory_space<vmem>> -> memref<128x128xf32, #tpu.memory_space<vmem>>
      %dma_wait3A_414 = arith.constant 0 : i32
      %dma_wait3A_415 = tpu.memref_slice %arg6[%dma_wait3A_409, %dma_wait3A_414] : memref<32x128xi32, #tpu.memory_space<vmem>> -> memref<1x128xi32, #tpu.memory_space<vmem>>
      %dma_wait3A_416 = tpu.memref_squeeze %dma_wait3A_415 : memref<1x128xi32, #tpu.memory_space<vmem>> -> memref<128xi32, #tpu.memory_space<vmem>>
      %dma_wait3A_417 = arith.constant 0 : i32
      %dma_wait3A_418 = arith.constant 0 : i32
      %dma_wait3A_419 = tpu.memref_slice %arg7[%dma_wait3A_417, %dma_wait3A_418] : memref<1024x128xf32, #tpu.memory_space<vmem_shared>> -> memref<1024x128xf32, #tpu.memory_space<vmem_shared>>
      tpu.wait_indirect_dma semaphore(%arg12 : memref<!tpu.dma_semaphore, #tpu.memory_space<semaphore_mem>>) src(%dma_wait3A_413 : memref<128x128xf32, #tpu.memory_space<vmem>>) dst(%dma_wait3A_419 : memref<1024x128xf32, #tpu.memory_space<vmem_shared>>)
    } else {
    }
    %add3A_270 = arith.constant 10 : i32
    %add3A_271 = arith.addi %add3A_13, %add3A_270 : i32
    %add3A_272 = arith.constant 2 : i32
    %add3A_273 = arith.addi %add3A_271, %add3A_272 : i32
    %le3A_274 = arith.constant 780 : i32
    %le3A_275 = arith.cmpi sle, %add3A_273, %le3A_274 : i32
    %convert_element_type3A_276 = arith.extui %le3A_275 : i1 to i32
    %cond3A_277 = arith.constant 0 : i32
    %cond3A_278 = arith.cmpi ne, %convert_element_type3A_276, %cond3A_277 : i32
    scf.if %cond3A_278 {
      %add3A_409 = arith.constant 12 : i32
      %add3A_410 = arith.addi %add3A_13, %add3A_409 : i32
      %mul3A_411 = arith.constant 128 : i32
      %mul3A_412 = arith.muli %add3A_410, %mul3A_411 : i32
      %dma_start3A = arith.constant 0 : i32
      %dma_start3A_413 = arith.constant 0 : i32
      %dma_start3A_414 = arith.constant 0 : i32
      %dma_start3A_415 = tpu.memref_slice %arg5[%dma_start3A, %dma_start3A_413, %dma_start3A_414] : memref<4x128x128xf32, #tpu.memory_space<vmem>> -> memref<1x128x128xf32, #tpu.memory_space<vmem>>
      %dma_start3A_416 = tpu.memref_squeeze %dma_start3A_415 : memref<1x128x128xf32, #tpu.memory_space<vmem>> -> memref<128x128xf32, #tpu.memory_space<vmem>>
      %dma_start3A_417 = arith.constant 0 : i32
      %dma_start3A_418 = tpu.memref_slice %arg2[%mul3A_412, %dma_start3A_417] : memref<100000x128xf32, #tpu.memory_space<hbm>> -> memref<128x128xf32, #tpu.memory_space<hbm>>
      %dma_start3A_419 = arith.constant 0 : i32
      %dma_start3A_420 = arith.constant 0 : i32
      %dma_start3A_421 = tpu.memref_slice %arg5[%dma_start3A, %dma_start3A_419, %dma_start3A_420] : memref<4x128x128xf32, #tpu.memory_space<vmem>> -> memref<1x128x128xf32, #tpu.memory_space<vmem>>
      %dma_start3A_422 = tpu.memref_squeeze %dma_start3A_421 : memref<1x128x128xf32, #tpu.memory_space<vmem>> -> memref<128x128xf32, #tpu.memory_space<vmem>>
      %dma_start3A_423 = arith.constant 0 : i32
      %dma_start3A_424 = tpu.memref_slice %arg2[%mul3A_412, %dma_start3A_423] : memref<100000x128xf32, #tpu.memory_space<hbm>> -> memref<128x128xf32, #tpu.memory_space<hbm>>
      tpu.enqueue_dma source(%dma_start3A_424 : memref<128x128xf32, #tpu.memory_space<hbm>>) target(%dma_start3A_422 : memref<128x128xf32, #tpu.memory_space<vmem>>) target_semaphore(%arg8 : memref<!tpu.dma_semaphore, #tpu.memory_space<semaphore_mem>>)
    } else {
    }
    %add3A_279 = arith.constant 11 : i32
    %add3A_280 = arith.addi %add3A_13, %add3A_279 : i32
    %le3A_281 = arith.constant 780 : i32
    %le3A_282 = arith.cmpi sle, %add3A_280, %le3A_281 : i32
    %convert_element_type3A_283 = arith.extui %le3A_282 : i1 to i32
    %cond3A_284 = arith.constant 0 : i32
    %cond3A_285 = arith.cmpi ne, %convert_element_type3A_283, %cond3A_284 : i32
    scf.if %cond3A_285 {
      %dma_wait3A = arith.constant 3 : i32
      %dma_wait3A_409 = arith.constant 0 : i32
      %dma_wait3A_410 = arith.constant 0 : i32
      %dma_wait3A_411 = tpu.memref_slice %arg5[%dma_wait3A, %dma_wait3A_409, %dma_wait3A_410] : memref<4x128x128xf32, #tpu.memory_space<vmem>> -> memref<1x128x128xf32, #tpu.memory_space<vmem>>
      %dma_wait3A_412 = tpu.memref_squeeze %dma_wait3A_411 : memref<1x128x128xf32, #tpu.memory_space<vmem>> -> memref<128x128xf32, #tpu.memory_space<vmem>>
      %dma_wait3A_413 = arith.constant 0 : i32
      %dma_wait3A_414 = arith.constant 0 : i32
      %dma_wait3A_415 = tpu.memref_slice %arg2[%dma_wait3A_413, %dma_wait3A_414] : memref<100000x128xf32, #tpu.memory_space<hbm>> -> memref<128x128xf32, #tpu.memory_space<hbm>>
      %dma_wait3A_416 = arith.constant 0 : i32
      %dma_wait3A_417 = arith.constant 0 : i32
      %dma_wait3A_418 = tpu.memref_slice %arg5[%dma_wait3A, %dma_wait3A_416, %dma_wait3A_417] : memref<4x128x128xf32, #tpu.memory_space<vmem>> -> memref<1x128x128xf32, #tpu.memory_space<vmem>>
      %dma_wait3A_419 = tpu.memref_squeeze %dma_wait3A_418 : memref<1x128x128xf32, #tpu.memory_space<vmem>> -> memref<128x128xf32, #tpu.memory_space<vmem>>
      %dma_wait3A_420 = arith.constant 0 : i32
      %dma_wait3A_421 = arith.constant 0 : i32
      %dma_wait3A_422 = tpu.memref_slice %arg2[%dma_wait3A_420, %dma_wait3A_421] : memref<100000x128xf32, #tpu.memory_space<hbm>> -> memref<128x128xf32, #tpu.memory_space<hbm>>
      tpu.wait_dma2 semaphore(%arg11 : memref<!tpu.dma_semaphore, #tpu.memory_space<semaphore_mem>>) src(%dma_wait3A_422 : memref<128x128xf32, #tpu.memory_space<hbm>>) dst(%dma_wait3A_419 : memref<128x128xf32, #tpu.memory_space<vmem>>)
      %dma_start3A = arith.constant 3 : i32
      %dma_start3A_423 = arith.constant 11 : i32
      %dma_start3A_424 = arith.constant 0 : i32
      %dma_start3A_425 = arith.constant 0 : i32
      %dma_start3A_426 = tpu.memref_slice %arg5[%dma_start3A, %dma_start3A_424, %dma_start3A_425] : memref<4x128x128xf32, #tpu.memory_space<vmem>> -> memref<1x128x128xf32, #tpu.memory_space<vmem>>
      %dma_start3A_427 = tpu.memref_squeeze %dma_start3A_426 : memref<1x128x128xf32, #tpu.memory_space<vmem>> -> memref<128x128xf32, #tpu.memory_space<vmem>>
      %dma_start3A_428 = arith.constant 0 : i32
      %dma_start3A_429 = tpu.memref_slice %arg6[%dma_start3A_423, %dma_start3A_428] : memref<32x128xi32, #tpu.memory_space<vmem>> -> memref<1x128xi32, #tpu.memory_space<vmem>>
      %dma_start3A_430 = tpu.memref_squeeze %dma_start3A_429 : memref<1x128xi32, #tpu.memory_space<vmem>> -> memref<128xi32, #tpu.memory_space<vmem>>
      %dma_start3A_431 = arith.constant 0 : i32
      %dma_start3A_432 = arith.constant 0 : i32
      %dma_start3A_433 = tpu.memref_slice %arg7[%dma_start3A_431, %dma_start3A_432] : memref<1024x128xf32, #tpu.memory_space<vmem_shared>> -> memref<1024x128xf32, #tpu.memory_space<vmem_shared>>
      tpu.enqueue_indirect_dma source(%dma_start3A_427 : memref<128x128xf32, #tpu.memory_space<vmem>>) target(%dma_start3A_433 : memref<1024x128xf32, #tpu.memory_space<vmem_shared>>) offsets(%dma_start3A_430 : memref<128xi32, #tpu.memory_space<vmem>>) semaphore(%arg13 : memref<!tpu.dma_semaphore, #tpu.memory_space<semaphore_mem>>) {add = true}
    } else {
    }
    %add3A_286 = arith.constant 11 : i32
    %add3A_287 = arith.addi %add3A_13, %add3A_286 : i32
    %sub3A_288 = arith.constant 2 : i32
    %sub3A_289 = arith.subi %add3A_287, %sub3A_288 : i32
    %le3A_290 = arith.constant 780 : i32
    %le3A_291 = arith.cmpi sle, %sub3A_289, %le3A_290 : i32
    %convert_element_type3A_292 = arith.extui %le3A_291 : i1 to i32
    %cond3A_293 = arith.constant 0 : i32
    %cond3A_294 = arith.cmpi ne, %convert_element_type3A_292, %cond3A_293 : i32
    scf.if %cond3A_294 {
      %dma_wait3A = arith.constant 1 : i32
      %dma_wait3A_409 = arith.constant 9 : i32
      %dma_wait3A_410 = arith.constant 0 : i32
      %dma_wait3A_411 = arith.constant 0 : i32
      %dma_wait3A_412 = tpu.memref_slice %arg5[%dma_wait3A, %dma_wait3A_410, %dma_wait3A_411] : memref<4x128x128xf32, #tpu.memory_space<vmem>> -> memref<1x128x128xf32, #tpu.memory_space<vmem>>
      %dma_wait3A_413 = tpu.memref_squeeze %dma_wait3A_412 : memref<1x128x128xf32, #tpu.memory_space<vmem>> -> memref<128x128xf32, #tpu.memory_space<vmem>>
      %dma_wait3A_414 = arith.constant 0 : i32
      %dma_wait3A_415 = tpu.memref_slice %arg6[%dma_wait3A_409, %dma_wait3A_414] : memref<32x128xi32, #tpu.memory_space<vmem>> -> memref<1x128xi32, #tpu.memory_space<vmem>>
      %dma_wait3A_416 = tpu.memref_squeeze %dma_wait3A_415 : memref<1x128xi32, #tpu.memory_space<vmem>> -> memref<128xi32, #tpu.memory_space<vmem>>
      %dma_wait3A_417 = arith.constant 0 : i32
      %dma_wait3A_418 = arith.constant 0 : i32
      %dma_wait3A_419 = tpu.memref_slice %arg7[%dma_wait3A_417, %dma_wait3A_418] : memref<1024x128xf32, #tpu.memory_space<vmem_shared>> -> memref<1024x128xf32, #tpu.memory_space<vmem_shared>>
      tpu.wait_indirect_dma semaphore(%arg13 : memref<!tpu.dma_semaphore, #tpu.memory_space<semaphore_mem>>) src(%dma_wait3A_413 : memref<128x128xf32, #tpu.memory_space<vmem>>) dst(%dma_wait3A_419 : memref<1024x128xf32, #tpu.memory_space<vmem_shared>>)
    } else {
    }
    %add3A_295 = arith.constant 11 : i32
    %add3A_296 = arith.addi %add3A_13, %add3A_295 : i32
    %add3A_297 = arith.constant 2 : i32
    %add3A_298 = arith.addi %add3A_296, %add3A_297 : i32
    %le3A_299 = arith.constant 780 : i32
    %le3A_300 = arith.cmpi sle, %add3A_298, %le3A_299 : i32
    %convert_element_type3A_301 = arith.extui %le3A_300 : i1 to i32
    %cond3A_302 = arith.constant 0 : i32
    %cond3A_303 = arith.cmpi ne, %convert_element_type3A_301, %cond3A_302 : i32
    scf.if %cond3A_303 {
      %add3A_409 = arith.constant 13 : i32
      %add3A_410 = arith.addi %add3A_13, %add3A_409 : i32
      %mul3A_411 = arith.constant 128 : i32
      %mul3A_412 = arith.muli %add3A_410, %mul3A_411 : i32
      %dma_start3A = arith.constant 1 : i32
      %dma_start3A_413 = arith.constant 0 : i32
      %dma_start3A_414 = arith.constant 0 : i32
      %dma_start3A_415 = tpu.memref_slice %arg5[%dma_start3A, %dma_start3A_413, %dma_start3A_414] : memref<4x128x128xf32, #tpu.memory_space<vmem>> -> memref<1x128x128xf32, #tpu.memory_space<vmem>>
      %dma_start3A_416 = tpu.memref_squeeze %dma_start3A_415 : memref<1x128x128xf32, #tpu.memory_space<vmem>> -> memref<128x128xf32, #tpu.memory_space<vmem>>
      %dma_start3A_417 = arith.constant 0 : i32
      %dma_start3A_418 = tpu.memref_slice %arg2[%mul3A_412, %dma_start3A_417] : memref<100000x128xf32, #tpu.memory_space<hbm>> -> memref<128x128xf32, #tpu.memory_space<hbm>>
      %dma_start3A_419 = arith.constant 0 : i32
      %dma_start3A_420 = arith.constant 0 : i32
      %dma_start3A_421 = tpu.memref_slice %arg5[%dma_start3A, %dma_start3A_419, %dma_start3A_420] : memref<4x128x128xf32, #tpu.memory_space<vmem>> -> memref<1x128x128xf32, #tpu.memory_space<vmem>>
      %dma_start3A_422 = tpu.memref_squeeze %dma_start3A_421 : memref<1x128x128xf32, #tpu.memory_space<vmem>> -> memref<128x128xf32, #tpu.memory_space<vmem>>
      %dma_start3A_423 = arith.constant 0 : i32
      %dma_start3A_424 = tpu.memref_slice %arg2[%mul3A_412, %dma_start3A_423] : memref<100000x128xf32, #tpu.memory_space<hbm>> -> memref<128x128xf32, #tpu.memory_space<hbm>>
      tpu.enqueue_dma source(%dma_start3A_424 : memref<128x128xf32, #tpu.memory_space<hbm>>) target(%dma_start3A_422 : memref<128x128xf32, #tpu.memory_space<vmem>>) target_semaphore(%arg9 : memref<!tpu.dma_semaphore, #tpu.memory_space<semaphore_mem>>)
    } else {
    }
    %add3A_304 = arith.constant 12 : i32
    %add3A_305 = arith.addi %add3A_13, %add3A_304 : i32
    %le3A_306 = arith.constant 780 : i32
    %le3A_307 = arith.cmpi sle, %add3A_305, %le3A_306 : i32
    %convert_element_type3A_308 = arith.extui %le3A_307 : i1 to i32
    %cond3A_309 = arith.constant 0 : i32
    %cond3A_310 = arith.cmpi ne, %convert_element_type3A_308, %cond3A_309 : i32
    scf.if %cond3A_310 {
      %dma_wait3A = arith.constant 0 : i32
      %dma_wait3A_409 = arith.constant 0 : i32
      %dma_wait3A_410 = arith.constant 0 : i32
      %dma_wait3A_411 = tpu.memref_slice %arg5[%dma_wait3A, %dma_wait3A_409, %dma_wait3A_410] : memref<4x128x128xf32, #tpu.memory_space<vmem>> -> memref<1x128x128xf32, #tpu.memory_space<vmem>>
      %dma_wait3A_412 = tpu.memref_squeeze %dma_wait3A_411 : memref<1x128x128xf32, #tpu.memory_space<vmem>> -> memref<128x128xf32, #tpu.memory_space<vmem>>
      %dma_wait3A_413 = arith.constant 0 : i32
      %dma_wait3A_414 = arith.constant 0 : i32
      %dma_wait3A_415 = tpu.memref_slice %arg2[%dma_wait3A_413, %dma_wait3A_414] : memref<100000x128xf32, #tpu.memory_space<hbm>> -> memref<128x128xf32, #tpu.memory_space<hbm>>
      %dma_wait3A_416 = arith.constant 0 : i32
      %dma_wait3A_417 = arith.constant 0 : i32
      %dma_wait3A_418 = tpu.memref_slice %arg5[%dma_wait3A, %dma_wait3A_416, %dma_wait3A_417] : memref<4x128x128xf32, #tpu.memory_space<vmem>> -> memref<1x128x128xf32, #tpu.memory_space<vmem>>
      %dma_wait3A_419 = tpu.memref_squeeze %dma_wait3A_418 : memref<1x128x128xf32, #tpu.memory_space<vmem>> -> memref<128x128xf32, #tpu.memory_space<vmem>>
      %dma_wait3A_420 = arith.constant 0 : i32
      %dma_wait3A_421 = arith.constant 0 : i32
      %dma_wait3A_422 = tpu.memref_slice %arg2[%dma_wait3A_420, %dma_wait3A_421] : memref<100000x128xf32, #tpu.memory_space<hbm>> -> memref<128x128xf32, #tpu.memory_space<hbm>>
      tpu.wait_dma2 semaphore(%arg8 : memref<!tpu.dma_semaphore, #tpu.memory_space<semaphore_mem>>) src(%dma_wait3A_422 : memref<128x128xf32, #tpu.memory_space<hbm>>) dst(%dma_wait3A_419 : memref<128x128xf32, #tpu.memory_space<vmem>>)
      %dma_start3A = arith.constant 0 : i32
      %dma_start3A_423 = arith.constant 12 : i32
      %dma_start3A_424 = arith.constant 0 : i32
      %dma_start3A_425 = arith.constant 0 : i32
      %dma_start3A_426 = tpu.memref_slice %arg5[%dma_start3A, %dma_start3A_424, %dma_start3A_425] : memref<4x128x128xf32, #tpu.memory_space<vmem>> -> memref<1x128x128xf32, #tpu.memory_space<vmem>>
      %dma_start3A_427 = tpu.memref_squeeze %dma_start3A_426 : memref<1x128x128xf32, #tpu.memory_space<vmem>> -> memref<128x128xf32, #tpu.memory_space<vmem>>
      %dma_start3A_428 = arith.constant 0 : i32
      %dma_start3A_429 = tpu.memref_slice %arg6[%dma_start3A_423, %dma_start3A_428] : memref<32x128xi32, #tpu.memory_space<vmem>> -> memref<1x128xi32, #tpu.memory_space<vmem>>
      %dma_start3A_430 = tpu.memref_squeeze %dma_start3A_429 : memref<1x128xi32, #tpu.memory_space<vmem>> -> memref<128xi32, #tpu.memory_space<vmem>>
      %dma_start3A_431 = arith.constant 0 : i32
      %dma_start3A_432 = arith.constant 0 : i32
      %dma_start3A_433 = tpu.memref_slice %arg7[%dma_start3A_431, %dma_start3A_432] : memref<1024x128xf32, #tpu.memory_space<vmem_shared>> -> memref<1024x128xf32, #tpu.memory_space<vmem_shared>>
      tpu.enqueue_indirect_dma source(%dma_start3A_427 : memref<128x128xf32, #tpu.memory_space<vmem>>) target(%dma_start3A_433 : memref<1024x128xf32, #tpu.memory_space<vmem_shared>>) offsets(%dma_start3A_430 : memref<128xi32, #tpu.memory_space<vmem>>) semaphore(%arg12 : memref<!tpu.dma_semaphore, #tpu.memory_space<semaphore_mem>>) {add = true}
    } else {
    }
    %add3A_311 = arith.constant 12 : i32
    %add3A_312 = arith.addi %add3A_13, %add3A_311 : i32
    %sub3A_313 = arith.constant 2 : i32
    %sub3A_314 = arith.subi %add3A_312, %sub3A_313 : i32
    %le3A_315 = arith.constant 780 : i32
    %le3A_316 = arith.cmpi sle, %sub3A_314, %le3A_315 : i32
    %convert_element_type3A_317 = arith.extui %le3A_316 : i1 to i32
    %cond3A_318 = arith.constant 0 : i32
    %cond3A_319 = arith.cmpi ne, %convert_element_type3A_317, %cond3A_318 : i32
    scf.if %cond3A_319 {
      %dma_wait3A = arith.constant 2 : i32
      %dma_wait3A_409 = arith.constant 10 : i32
      %dma_wait3A_410 = arith.constant 0 : i32
      %dma_wait3A_411 = arith.constant 0 : i32
      %dma_wait3A_412 = tpu.memref_slice %arg5[%dma_wait3A, %dma_wait3A_410, %dma_wait3A_411] : memref<4x128x128xf32, #tpu.memory_space<vmem>> -> memref<1x128x128xf32, #tpu.memory_space<vmem>>
      %dma_wait3A_413 = tpu.memref_squeeze %dma_wait3A_412 : memref<1x128x128xf32, #tpu.memory_space<vmem>> -> memref<128x128xf32, #tpu.memory_space<vmem>>
      %dma_wait3A_414 = arith.constant 0 : i32
      %dma_wait3A_415 = tpu.memref_slice %arg6[%dma_wait3A_409, %dma_wait3A_414] : memref<32x128xi32, #tpu.memory_space<vmem>> -> memref<1x128xi32, #tpu.memory_space<vmem>>
      %dma_wait3A_416 = tpu.memref_squeeze %dma_wait3A_415 : memref<1x128xi32, #tpu.memory_space<vmem>> -> memref<128xi32, #tpu.memory_space<vmem>>
      %dma_wait3A_417 = arith.constant 0 : i32
      %dma_wait3A_418 = arith.constant 0 : i32
      %dma_wait3A_419 = tpu.memref_slice %arg7[%dma_wait3A_417, %dma_wait3A_418] : memref<1024x128xf32, #tpu.memory_space<vmem_shared>> -> memref<1024x128xf32, #tpu.memory_space<vmem_shared>>
      tpu.wait_indirect_dma semaphore(%arg12 : memref<!tpu.dma_semaphore, #tpu.memory_space<semaphore_mem>>) src(%dma_wait3A_413 : memref<128x128xf32, #tpu.memory_space<vmem>>) dst(%dma_wait3A_419 : memref<1024x128xf32, #tpu.memory_space<vmem_shared>>)
    } else {
    }
    %add3A_320 = arith.constant 12 : i32
    %add3A_321 = arith.addi %add3A_13, %add3A_320 : i32
    %add3A_322 = arith.constant 2 : i32
    %add3A_323 = arith.addi %add3A_321, %add3A_322 : i32
    %le3A_324 = arith.constant 780 : i32
    %le3A_325 = arith.cmpi sle, %add3A_323, %le3A_324 : i32
    %convert_element_type3A_326 = arith.extui %le3A_325 : i1 to i32
    %cond3A_327 = arith.constant 0 : i32
    %cond3A_328 = arith.cmpi ne, %convert_element_type3A_326, %cond3A_327 : i32
    scf.if %cond3A_328 {
      %add3A_409 = arith.constant 14 : i32
      %add3A_410 = arith.addi %add3A_13, %add3A_409 : i32
      %mul3A_411 = arith.constant 128 : i32
      %mul3A_412 = arith.muli %add3A_410, %mul3A_411 : i32
      %dma_start3A = arith.constant 2 : i32
      %dma_start3A_413 = arith.constant 0 : i32
      %dma_start3A_414 = arith.constant 0 : i32
      %dma_start3A_415 = tpu.memref_slice %arg5[%dma_start3A, %dma_start3A_413, %dma_start3A_414] : memref<4x128x128xf32, #tpu.memory_space<vmem>> -> memref<1x128x128xf32, #tpu.memory_space<vmem>>
      %dma_start3A_416 = tpu.memref_squeeze %dma_start3A_415 : memref<1x128x128xf32, #tpu.memory_space<vmem>> -> memref<128x128xf32, #tpu.memory_space<vmem>>
      %dma_start3A_417 = arith.constant 0 : i32
      %dma_start3A_418 = tpu.memref_slice %arg2[%mul3A_412, %dma_start3A_417] : memref<100000x128xf32, #tpu.memory_space<hbm>> -> memref<128x128xf32, #tpu.memory_space<hbm>>
      %dma_start3A_419 = arith.constant 0 : i32
      %dma_start3A_420 = arith.constant 0 : i32
      %dma_start3A_421 = tpu.memref_slice %arg5[%dma_start3A, %dma_start3A_419, %dma_start3A_420] : memref<4x128x128xf32, #tpu.memory_space<vmem>> -> memref<1x128x128xf32, #tpu.memory_space<vmem>>
      %dma_start3A_422 = tpu.memref_squeeze %dma_start3A_421 : memref<1x128x128xf32, #tpu.memory_space<vmem>> -> memref<128x128xf32, #tpu.memory_space<vmem>>
      %dma_start3A_423 = arith.constant 0 : i32
      %dma_start3A_424 = tpu.memref_slice %arg2[%mul3A_412, %dma_start3A_423] : memref<100000x128xf32, #tpu.memory_space<hbm>> -> memref<128x128xf32, #tpu.memory_space<hbm>>
      tpu.enqueue_dma source(%dma_start3A_424 : memref<128x128xf32, #tpu.memory_space<hbm>>) target(%dma_start3A_422 : memref<128x128xf32, #tpu.memory_space<vmem>>) target_semaphore(%arg10 : memref<!tpu.dma_semaphore, #tpu.memory_space<semaphore_mem>>)
    } else {
    }
    %add3A_329 = arith.constant 13 : i32
    %add3A_330 = arith.addi %add3A_13, %add3A_329 : i32
    %le3A_331 = arith.constant 780 : i32
    %le3A_332 = arith.cmpi sle, %add3A_330, %le3A_331 : i32
    %convert_element_type3A_333 = arith.extui %le3A_332 : i1 to i32
    %cond3A_334 = arith.constant 0 : i32
    %cond3A_335 = arith.cmpi ne, %convert_element_type3A_333, %cond3A_334 : i32
    scf.if %cond3A_335 {
      %dma_wait3A = arith.constant 1 : i32
      %dma_wait3A_409 = arith.constant 0 : i32
      %dma_wait3A_410 = arith.constant 0 : i32
      %dma_wait3A_411 = tpu.memref_slice %arg5[%dma_wait3A, %dma_wait3A_409, %dma_wait3A_410] : memref<4x128x128xf32, #tpu.memory_space<vmem>> -> memref<1x128x128xf32, #tpu.memory_space<vmem>>
      %dma_wait3A_412 = tpu.memref_squeeze %dma_wait3A_411 : memref<1x128x128xf32, #tpu.memory_space<vmem>> -> memref<128x128xf32, #tpu.memory_space<vmem>>
      %dma_wait3A_413 = arith.constant 0 : i32
      %dma_wait3A_414 = arith.constant 0 : i32
      %dma_wait3A_415 = tpu.memref_slice %arg2[%dma_wait3A_413, %dma_wait3A_414] : memref<100000x128xf32, #tpu.memory_space<hbm>> -> memref<128x128xf32, #tpu.memory_space<hbm>>
      %dma_wait3A_416 = arith.constant 0 : i32
      %dma_wait3A_417 = arith.constant 0 : i32
      %dma_wait3A_418 = tpu.memref_slice %arg5[%dma_wait3A, %dma_wait3A_416, %dma_wait3A_417] : memref<4x128x128xf32, #tpu.memory_space<vmem>> -> memref<1x128x128xf32, #tpu.memory_space<vmem>>
      %dma_wait3A_419 = tpu.memref_squeeze %dma_wait3A_418 : memref<1x128x128xf32, #tpu.memory_space<vmem>> -> memref<128x128xf32, #tpu.memory_space<vmem>>
      %dma_wait3A_420 = arith.constant 0 : i32
      %dma_wait3A_421 = arith.constant 0 : i32
      %dma_wait3A_422 = tpu.memref_slice %arg2[%dma_wait3A_420, %dma_wait3A_421] : memref<100000x128xf32, #tpu.memory_space<hbm>> -> memref<128x128xf32, #tpu.memory_space<hbm>>
      tpu.wait_dma2 semaphore(%arg9 : memref<!tpu.dma_semaphore, #tpu.memory_space<semaphore_mem>>) src(%dma_wait3A_422 : memref<128x128xf32, #tpu.memory_space<hbm>>) dst(%dma_wait3A_419 : memref<128x128xf32, #tpu.memory_space<vmem>>)
      %dma_start3A = arith.constant 1 : i32
      %dma_start3A_423 = arith.constant 13 : i32
      %dma_start3A_424 = arith.constant 0 : i32
      %dma_start3A_425 = arith.constant 0 : i32
      %dma_start3A_426 = tpu.memref_slice %arg5[%dma_start3A, %dma_start3A_424, %dma_start3A_425] : memref<4x128x128xf32, #tpu.memory_space<vmem>> -> memref<1x128x128xf32, #tpu.memory_space<vmem>>
      %dma_start3A_427 = tpu.memref_squeeze %dma_start3A_426 : memref<1x128x128xf32, #tpu.memory_space<vmem>> -> memref<128x128xf32, #tpu.memory_space<vmem>>
      %dma_start3A_428 = arith.constant 0 : i32
      %dma_start3A_429 = tpu.memref_slice %arg6[%dma_start3A_423, %dma_start3A_428] : memref<32x128xi32, #tpu.memory_space<vmem>> -> memref<1x128xi32, #tpu.memory_space<vmem>>
      %dma_start3A_430 = tpu.memref_squeeze %dma_start3A_429 : memref<1x128xi32, #tpu.memory_space<vmem>> -> memref<128xi32, #tpu.memory_space<vmem>>
      %dma_start3A_431 = arith.constant 0 : i32
      %dma_start3A_432 = arith.constant 0 : i32
      %dma_start3A_433 = tpu.memref_slice %arg7[%dma_start3A_431, %dma_start3A_432] : memref<1024x128xf32, #tpu.memory_space<vmem_shared>> -> memref<1024x128xf32, #tpu.memory_space<vmem_shared>>
      tpu.enqueue_indirect_dma source(%dma_start3A_427 : memref<128x128xf32, #tpu.memory_space<vmem>>) target(%dma_start3A_433 : memref<1024x128xf32, #tpu.memory_space<vmem_shared>>) offsets(%dma_start3A_430 : memref<128xi32, #tpu.memory_space<vmem>>) semaphore(%arg13 : memref<!tpu.dma_semaphore, #tpu.memory_space<semaphore_mem>>) {add = true}
    } else {
    }
    %add3A_336 = arith.constant 13 : i32
    %add3A_337 = arith.addi %add3A_13, %add3A_336 : i32
    %sub3A_338 = arith.constant 2 : i32
    %sub3A_339 = arith.subi %add3A_337, %sub3A_338 : i32
    %le3A_340 = arith.constant 780 : i32
    %le3A_341 = arith.cmpi sle, %sub3A_339, %le3A_340 : i32
    %convert_element_type3A_342 = arith.extui %le3A_341 : i1 to i32
    %cond3A_343 = arith.constant 0 : i32
    %cond3A_344 = arith.cmpi ne, %convert_element_type3A_342, %cond3A_343 : i32
    scf.if %cond3A_344 {
      %dma_wait3A = arith.constant 3 : i32
      %dma_wait3A_409 = arith.constant 11 : i32
      %dma_wait3A_410 = arith.constant 0 : i32
      %dma_wait3A_411 = arith.constant 0 : i32
      %dma_wait3A_412 = tpu.memref_slice %arg5[%dma_wait3A, %dma_wait3A_410, %dma_wait3A_411] : memref<4x128x128xf32, #tpu.memory_space<vmem>> -> memref<1x128x128xf32, #tpu.memory_space<vmem>>
      %dma_wait3A_413 = tpu.memref_squeeze %dma_wait3A_412 : memref<1x128x128xf32, #tpu.memory_space<vmem>> -> memref<128x128xf32, #tpu.memory_space<vmem>>
      %dma_wait3A_414 = arith.constant 0 : i32
      %dma_wait3A_415 = tpu.memref_slice %arg6[%dma_wait3A_409, %dma_wait3A_414] : memref<32x128xi32, #tpu.memory_space<vmem>> -> memref<1x128xi32, #tpu.memory_space<vmem>>
      %dma_wait3A_416 = tpu.memref_squeeze %dma_wait3A_415 : memref<1x128xi32, #tpu.memory_space<vmem>> -> memref<128xi32, #tpu.memory_space<vmem>>
      %dma_wait3A_417 = arith.constant 0 : i32
      %dma_wait3A_418 = arith.constant 0 : i32
      %dma_wait3A_419 = tpu.memref_slice %arg7[%dma_wait3A_417, %dma_wait3A_418] : memref<1024x128xf32, #tpu.memory_space<vmem_shared>> -> memref<1024x128xf32, #tpu.memory_space<vmem_shared>>
      tpu.wait_indirect_dma semaphore(%arg13 : memref<!tpu.dma_semaphore, #tpu.memory_space<semaphore_mem>>) src(%dma_wait3A_413 : memref<128x128xf32, #tpu.memory_space<vmem>>) dst(%dma_wait3A_419 : memref<1024x128xf32, #tpu.memory_space<vmem_shared>>)
    } else {
    }
    %add3A_345 = arith.constant 13 : i32
    %add3A_346 = arith.addi %add3A_13, %add3A_345 : i32
    %add3A_347 = arith.constant 2 : i32
    %add3A_348 = arith.addi %add3A_346, %add3A_347 : i32
    %le3A_349 = arith.constant 780 : i32
    %le3A_350 = arith.cmpi sle, %add3A_348, %le3A_349 : i32
    %convert_element_type3A_351 = arith.extui %le3A_350 : i1 to i32
    %cond3A_352 = arith.constant 0 : i32
    %cond3A_353 = arith.cmpi ne, %convert_element_type3A_351, %cond3A_352 : i32
    scf.if %cond3A_353 {
      %add3A_409 = arith.constant 15 : i32
      %add3A_410 = arith.addi %add3A_13, %add3A_409 : i32
      %mul3A_411 = arith.constant 128 : i32
      %mul3A_412 = arith.muli %add3A_410, %mul3A_411 : i32
      %dma_start3A = arith.constant 3 : i32
      %dma_start3A_413 = arith.constant 0 : i32
      %dma_start3A_414 = arith.constant 0 : i32
      %dma_start3A_415 = tpu.memref_slice %arg5[%dma_start3A, %dma_start3A_413, %dma_start3A_414] : memref<4x128x128xf32, #tpu.memory_space<vmem>> -> memref<1x128x128xf32, #tpu.memory_space<vmem>>
      %dma_start3A_416 = tpu.memref_squeeze %dma_start3A_415 : memref<1x128x128xf32, #tpu.memory_space<vmem>> -> memref<128x128xf32, #tpu.memory_space<vmem>>
      %dma_start3A_417 = arith.constant 0 : i32
      %dma_start3A_418 = tpu.memref_slice %arg2[%mul3A_412, %dma_start3A_417] : memref<100000x128xf32, #tpu.memory_space<hbm>> -> memref<128x128xf32, #tpu.memory_space<hbm>>
      %dma_start3A_419 = arith.constant 0 : i32
      %dma_start3A_420 = arith.constant 0 : i32
      %dma_start3A_421 = tpu.memref_slice %arg5[%dma_start3A, %dma_start3A_419, %dma_start3A_420] : memref<4x128x128xf32, #tpu.memory_space<vmem>> -> memref<1x128x128xf32, #tpu.memory_space<vmem>>
      %dma_start3A_422 = tpu.memref_squeeze %dma_start3A_421 : memref<1x128x128xf32, #tpu.memory_space<vmem>> -> memref<128x128xf32, #tpu.memory_space<vmem>>
      %dma_start3A_423 = arith.constant 0 : i32
      %dma_start3A_424 = tpu.memref_slice %arg2[%mul3A_412, %dma_start3A_423] : memref<100000x128xf32, #tpu.memory_space<hbm>> -> memref<128x128xf32, #tpu.memory_space<hbm>>
      tpu.enqueue_dma source(%dma_start3A_424 : memref<128x128xf32, #tpu.memory_space<hbm>>) target(%dma_start3A_422 : memref<128x128xf32, #tpu.memory_space<vmem>>) target_semaphore(%arg11 : memref<!tpu.dma_semaphore, #tpu.memory_space<semaphore_mem>>)
    } else {
    }
    %add3A_354 = arith.constant 14 : i32
    %add3A_355 = arith.addi %add3A_13, %add3A_354 : i32
    %le3A_356 = arith.constant 780 : i32
    %le3A_357 = arith.cmpi sle, %add3A_355, %le3A_356 : i32
    %convert_element_type3A_358 = arith.extui %le3A_357 : i1 to i32
    %cond3A_359 = arith.constant 0 : i32
    %cond3A_360 = arith.cmpi ne, %convert_element_type3A_358, %cond3A_359 : i32
    scf.if %cond3A_360 {
      %dma_wait3A = arith.constant 2 : i32
      %dma_wait3A_409 = arith.constant 0 : i32
      %dma_wait3A_410 = arith.constant 0 : i32
      %dma_wait3A_411 = tpu.memref_slice %arg5[%dma_wait3A, %dma_wait3A_409, %dma_wait3A_410] : memref<4x128x128xf32, #tpu.memory_space<vmem>> -> memref<1x128x128xf32, #tpu.memory_space<vmem>>
      %dma_wait3A_412 = tpu.memref_squeeze %dma_wait3A_411 : memref<1x128x128xf32, #tpu.memory_space<vmem>> -> memref<128x128xf32, #tpu.memory_space<vmem>>
      %dma_wait3A_413 = arith.constant 0 : i32
      %dma_wait3A_414 = arith.constant 0 : i32
      %dma_wait3A_415 = tpu.memref_slice %arg2[%dma_wait3A_413, %dma_wait3A_414] : memref<100000x128xf32, #tpu.memory_space<hbm>> -> memref<128x128xf32, #tpu.memory_space<hbm>>
      %dma_wait3A_416 = arith.constant 0 : i32
      %dma_wait3A_417 = arith.constant 0 : i32
      %dma_wait3A_418 = tpu.memref_slice %arg5[%dma_wait3A, %dma_wait3A_416, %dma_wait3A_417] : memref<4x128x128xf32, #tpu.memory_space<vmem>> -> memref<1x128x128xf32, #tpu.memory_space<vmem>>
      %dma_wait3A_419 = tpu.memref_squeeze %dma_wait3A_418 : memref<1x128x128xf32, #tpu.memory_space<vmem>> -> memref<128x128xf32, #tpu.memory_space<vmem>>
      %dma_wait3A_420 = arith.constant 0 : i32
      %dma_wait3A_421 = arith.constant 0 : i32
      %dma_wait3A_422 = tpu.memref_slice %arg2[%dma_wait3A_420, %dma_wait3A_421] : memref<100000x128xf32, #tpu.memory_space<hbm>> -> memref<128x128xf32, #tpu.memory_space<hbm>>
      tpu.wait_dma2 semaphore(%arg10 : memref<!tpu.dma_semaphore, #tpu.memory_space<semaphore_mem>>) src(%dma_wait3A_422 : memref<128x128xf32, #tpu.memory_space<hbm>>) dst(%dma_wait3A_419 : memref<128x128xf32, #tpu.memory_space<vmem>>)
      %dma_start3A = arith.constant 2 : i32
      %dma_start3A_423 = arith.constant 14 : i32
      %dma_start3A_424 = arith.constant 0 : i32
      %dma_start3A_425 = arith.constant 0 : i32
      %dma_start3A_426 = tpu.memref_slice %arg5[%dma_start3A, %dma_start3A_424, %dma_start3A_425] : memref<4x128x128xf32, #tpu.memory_space<vmem>> -> memref<1x128x128xf32, #tpu.memory_space<vmem>>
      %dma_start3A_427 = tpu.memref_squeeze %dma_start3A_426 : memref<1x128x128xf32, #tpu.memory_space<vmem>> -> memref<128x128xf32, #tpu.memory_space<vmem>>
      %dma_start3A_428 = arith.constant 0 : i32
      %dma_start3A_429 = tpu.memref_slice %arg6[%dma_start3A_423, %dma_start3A_428] : memref<32x128xi32, #tpu.memory_space<vmem>> -> memref<1x128xi32, #tpu.memory_space<vmem>>
      %dma_start3A_430 = tpu.memref_squeeze %dma_start3A_429 : memref<1x128xi32, #tpu.memory_space<vmem>> -> memref<128xi32, #tpu.memory_space<vmem>>
      %dma_start3A_431 = arith.constant 0 : i32
      %dma_start3A_432 = arith.constant 0 : i32
      %dma_start3A_433 = tpu.memref_slice %arg7[%dma_start3A_431, %dma_start3A_432] : memref<1024x128xf32, #tpu.memory_space<vmem_shared>> -> memref<1024x128xf32, #tpu.memory_space<vmem_shared>>
      tpu.enqueue_indirect_dma source(%dma_start3A_427 : memref<128x128xf32, #tpu.memory_space<vmem>>) target(%dma_start3A_433 : memref<1024x128xf32, #tpu.memory_space<vmem_shared>>) offsets(%dma_start3A_430 : memref<128xi32, #tpu.memory_space<vmem>>) semaphore(%arg12 : memref<!tpu.dma_semaphore, #tpu.memory_space<semaphore_mem>>) {add = true}
    } else {
    }
    %add3A_361 = arith.constant 14 : i32
    %add3A_362 = arith.addi %add3A_13, %add3A_361 : i32
    %sub3A_363 = arith.constant 2 : i32
    %sub3A_364 = arith.subi %add3A_362, %sub3A_363 : i32
    %le3A_365 = arith.constant 780 : i32
    %le3A_366 = arith.cmpi sle, %sub3A_364, %le3A_365 : i32
    %convert_element_type3A_367 = arith.extui %le3A_366 : i1 to i32
    %cond3A_368 = arith.constant 0 : i32
    %cond3A_369 = arith.cmpi ne, %convert_element_type3A_367, %cond3A_368 : i32
    scf.if %cond3A_369 {
      %dma_wait3A = arith.constant 0 : i32
      %dma_wait3A_409 = arith.constant 12 : i32
      %dma_wait3A_410 = arith.constant 0 : i32
      %dma_wait3A_411 = arith.constant 0 : i32
      %dma_wait3A_412 = tpu.memref_slice %arg5[%dma_wait3A, %dma_wait3A_410, %dma_wait3A_411] : memref<4x128x128xf32, #tpu.memory_space<vmem>> -> memref<1x128x128xf32, #tpu.memory_space<vmem>>
      %dma_wait3A_413 = tpu.memref_squeeze %dma_wait3A_412 : memref<1x128x128xf32, #tpu.memory_space<vmem>> -> memref<128x128xf32, #tpu.memory_space<vmem>>
      %dma_wait3A_414 = arith.constant 0 : i32
      %dma_wait3A_415 = tpu.memref_slice %arg6[%dma_wait3A_409, %dma_wait3A_414] : memref<32x128xi32, #tpu.memory_space<vmem>> -> memref<1x128xi32, #tpu.memory_space<vmem>>
      %dma_wait3A_416 = tpu.memref_squeeze %dma_wait3A_415 : memref<1x128xi32, #tpu.memory_space<vmem>> -> memref<128xi32, #tpu.memory_space<vmem>>
      %dma_wait3A_417 = arith.constant 0 : i32
      %dma_wait3A_418 = arith.constant 0 : i32
      %dma_wait3A_419 = tpu.memref_slice %arg7[%dma_wait3A_417, %dma_wait3A_418] : memref<1024x128xf32, #tpu.memory_space<vmem_shared>> -> memref<1024x128xf32, #tpu.memory_space<vmem_shared>>
      tpu.wait_indirect_dma semaphore(%arg12 : memref<!tpu.dma_semaphore, #tpu.memory_space<semaphore_mem>>) src(%dma_wait3A_413 : memref<128x128xf32, #tpu.memory_space<vmem>>) dst(%dma_wait3A_419 : memref<1024x128xf32, #tpu.memory_space<vmem_shared>>)
    } else {
    }
    %add3A_370 = arith.constant 15 : i32
    %add3A_371 = arith.addi %add3A_13, %add3A_370 : i32
    %le3A_372 = arith.constant 780 : i32
    %le3A_373 = arith.cmpi sle, %add3A_371, %le3A_372 : i32
    %convert_element_type3A_374 = arith.extui %le3A_373 : i1 to i32
    %cond3A_375 = arith.constant 0 : i32
    %cond3A_376 = arith.cmpi ne, %convert_element_type3A_374, %cond3A_375 : i32
    scf.if %cond3A_376 {
      %dma_wait3A = arith.constant 3 : i32
      %dma_wait3A_409 = arith.constant 0 : i32
      %dma_wait3A_410 = arith.constant 0 : i32
      %dma_wait3A_411 = tpu.memref_slice %arg5[%dma_wait3A, %dma_wait3A_409, %dma_wait3A_410] : memref<4x128x128xf32, #tpu.memory_space<vmem>> -> memref<1x128x128xf32, #tpu.memory_space<vmem>>
      %dma_wait3A_412 = tpu.memref_squeeze %dma_wait3A_411 : memref<1x128x128xf32, #tpu.memory_space<vmem>> -> memref<128x128xf32, #tpu.memory_space<vmem>>
      %dma_wait3A_413 = arith.constant 0 : i32
      %dma_wait3A_414 = arith.constant 0 : i32
      %dma_wait3A_415 = tpu.memref_slice %arg2[%dma_wait3A_413, %dma_wait3A_414] : memref<100000x128xf32, #tpu.memory_space<hbm>> -> memref<128x128xf32, #tpu.memory_space<hbm>>
      %dma_wait3A_416 = arith.constant 0 : i32
      %dma_wait3A_417 = arith.constant 0 : i32
      %dma_wait3A_418 = tpu.memref_slice %arg5[%dma_wait3A, %dma_wait3A_416, %dma_wait3A_417] : memref<4x128x128xf32, #tpu.memory_space<vmem>> -> memref<1x128x128xf32, #tpu.memory_space<vmem>>
      %dma_wait3A_419 = tpu.memref_squeeze %dma_wait3A_418 : memref<1x128x128xf32, #tpu.memory_space<vmem>> -> memref<128x128xf32, #tpu.memory_space<vmem>>
      %dma_wait3A_420 = arith.constant 0 : i32
      %dma_wait3A_421 = arith.constant 0 : i32
      %dma_wait3A_422 = tpu.memref_slice %arg2[%dma_wait3A_420, %dma_wait3A_421] : memref<100000x128xf32, #tpu.memory_space<hbm>> -> memref<128x128xf32, #tpu.memory_space<hbm>>
      tpu.wait_dma2 semaphore(%arg11 : memref<!tpu.dma_semaphore, #tpu.memory_space<semaphore_mem>>) src(%dma_wait3A_422 : memref<128x128xf32, #tpu.memory_space<hbm>>) dst(%dma_wait3A_419 : memref<128x128xf32, #tpu.memory_space<vmem>>)
      %dma_start3A = arith.constant 3 : i32
      %dma_start3A_423 = arith.constant 15 : i32
      %dma_start3A_424 = arith.constant 0 : i32
      %dma_start3A_425 = arith.constant 0 : i32
      %dma_start3A_426 = tpu.memref_slice %arg5[%dma_start3A, %dma_start3A_424, %dma_start3A_425] : memref<4x128x128xf32, #tpu.memory_space<vmem>> -> memref<1x128x128xf32, #tpu.memory_space<vmem>>
      %dma_start3A_427 = tpu.memref_squeeze %dma_start3A_426 : memref<1x128x128xf32, #tpu.memory_space<vmem>> -> memref<128x128xf32, #tpu.memory_space<vmem>>
      %dma_start3A_428 = arith.constant 0 : i32
      %dma_start3A_429 = tpu.memref_slice %arg6[%dma_start3A_423, %dma_start3A_428] : memref<32x128xi32, #tpu.memory_space<vmem>> -> memref<1x128xi32, #tpu.memory_space<vmem>>
      %dma_start3A_430 = tpu.memref_squeeze %dma_start3A_429 : memref<1x128xi32, #tpu.memory_space<vmem>> -> memref<128xi32, #tpu.memory_space<vmem>>
      %dma_start3A_431 = arith.constant 0 : i32
      %dma_start3A_432 = arith.constant 0 : i32
      %dma_start3A_433 = tpu.memref_slice %arg7[%dma_start3A_431, %dma_start3A_432] : memref<1024x128xf32, #tpu.memory_space<vmem_shared>> -> memref<1024x128xf32, #tpu.memory_space<vmem_shared>>
      tpu.enqueue_indirect_dma source(%dma_start3A_427 : memref<128x128xf32, #tpu.memory_space<vmem>>) target(%dma_start3A_433 : memref<1024x128xf32, #tpu.memory_space<vmem_shared>>) offsets(%dma_start3A_430 : memref<128xi32, #tpu.memory_space<vmem>>) semaphore(%arg13 : memref<!tpu.dma_semaphore, #tpu.memory_space<semaphore_mem>>) {add = true}
    } else {
    }
    %add3A_377 = arith.constant 15 : i32
    %add3A_378 = arith.addi %add3A_13, %add3A_377 : i32
    %sub3A_379 = arith.constant 2 : i32
    %sub3A_380 = arith.subi %add3A_378, %sub3A_379 : i32
    %le3A_381 = arith.constant 780 : i32
    %le3A_382 = arith.cmpi sle, %sub3A_380, %le3A_381 : i32
    %convert_element_type3A_383 = arith.extui %le3A_382 : i1 to i32
    %cond3A_384 = arith.constant 0 : i32
    %cond3A_385 = arith.cmpi ne, %convert_element_type3A_383, %cond3A_384 : i32
    scf.if %cond3A_385 {
      %dma_wait3A = arith.constant 1 : i32
      %dma_wait3A_409 = arith.constant 13 : i32
      %dma_wait3A_410 = arith.constant 0 : i32
      %dma_wait3A_411 = arith.constant 0 : i32
      %dma_wait3A_412 = tpu.memref_slice %arg5[%dma_wait3A, %dma_wait3A_410, %dma_wait3A_411] : memref<4x128x128xf32, #tpu.memory_space<vmem>> -> memref<1x128x128xf32, #tpu.memory_space<vmem>>
      %dma_wait3A_413 = tpu.memref_squeeze %dma_wait3A_412 : memref<1x128x128xf32, #tpu.memory_space<vmem>> -> memref<128x128xf32, #tpu.memory_space<vmem>>
      %dma_wait3A_414 = arith.constant 0 : i32
      %dma_wait3A_415 = tpu.memref_slice %arg6[%dma_wait3A_409, %dma_wait3A_414] : memref<32x128xi32, #tpu.memory_space<vmem>> -> memref<1x128xi32, #tpu.memory_space<vmem>>
      %dma_wait3A_416 = tpu.memref_squeeze %dma_wait3A_415 : memref<1x128xi32, #tpu.memory_space<vmem>> -> memref<128xi32, #tpu.memory_space<vmem>>
      %dma_wait3A_417 = arith.constant 0 : i32
      %dma_wait3A_418 = arith.constant 0 : i32
      %dma_wait3A_419 = tpu.memref_slice %arg7[%dma_wait3A_417, %dma_wait3A_418] : memref<1024x128xf32, #tpu.memory_space<vmem_shared>> -> memref<1024x128xf32, #tpu.memory_space<vmem_shared>>
      tpu.wait_indirect_dma semaphore(%arg13 : memref<!tpu.dma_semaphore, #tpu.memory_space<semaphore_mem>>) src(%dma_wait3A_413 : memref<128x128xf32, #tpu.memory_space<vmem>>) dst(%dma_wait3A_419 : memref<1024x128xf32, #tpu.memory_space<vmem_shared>>)
    } else {
    }
    %add3A_386 = arith.constant 14 : i32
    %add3A_387 = arith.addi %add3A_13, %add3A_386 : i32
    %le3A_388 = arith.constant 780 : i32
    %le3A_389 = arith.cmpi sle, %add3A_387, %le3A_388 : i32
    %convert_element_type3A_390 = arith.extui %le3A_389 : i1 to i32
    %cond3A_391 = arith.constant 0 : i32
    %cond3A_392 = arith.cmpi ne, %convert_element_type3A_390, %cond3A_391 : i32
    scf.if %cond3A_392 {
      %dma_wait3A = arith.constant 2 : i32
      %dma_wait3A_409 = arith.constant 14 : i32
      %dma_wait3A_410 = arith.constant 0 : i32
      %dma_wait3A_411 = arith.constant 0 : i32
      %dma_wait3A_412 = tpu.memref_slice %arg5[%dma_wait3A, %dma_wait3A_410, %dma_wait3A_411] : memref<4x128x128xf32, #tpu.memory_space<vmem>> -> memref<1x128x128xf32, #tpu.memory_space<vmem>>
      %dma_wait3A_413 = tpu.memref_squeeze %dma_wait3A_412 : memref<1x128x128xf32, #tpu.memory_space<vmem>> -> memref<128x128xf32, #tpu.memory_space<vmem>>
      %dma_wait3A_414 = arith.constant 0 : i32
      %dma_wait3A_415 = tpu.memref_slice %arg6[%dma_wait3A_409, %dma_wait3A_414] : memref<32x128xi32, #tpu.memory_space<vmem>> -> memref<1x128xi32, #tpu.memory_space<vmem>>
      %dma_wait3A_416 = tpu.memref_squeeze %dma_wait3A_415 : memref<1x128xi32, #tpu.memory_space<vmem>> -> memref<128xi32, #tpu.memory_space<vmem>>
      %dma_wait3A_417 = arith.constant 0 : i32
      %dma_wait3A_418 = arith.constant 0 : i32
      %dma_wait3A_419 = tpu.memref_slice %arg7[%dma_wait3A_417, %dma_wait3A_418] : memref<1024x128xf32, #tpu.memory_space<vmem_shared>> -> memref<1024x128xf32, #tpu.memory_space<vmem_shared>>
      tpu.wait_indirect_dma semaphore(%arg12 : memref<!tpu.dma_semaphore, #tpu.memory_space<semaphore_mem>>) src(%dma_wait3A_413 : memref<128x128xf32, #tpu.memory_space<vmem>>) dst(%dma_wait3A_419 : memref<1024x128xf32, #tpu.memory_space<vmem_shared>>)
    } else {
    }
    %add3A_393 = arith.constant 15 : i32
    %add3A_394 = arith.addi %add3A_13, %add3A_393 : i32
    %le3A_395 = arith.constant 780 : i32
    %le3A_396 = arith.cmpi sle, %add3A_394, %le3A_395 : i32
    %convert_element_type3A_397 = arith.extui %le3A_396 : i1 to i32
    %cond3A_398 = arith.constant 0 : i32
    %cond3A_399 = arith.cmpi ne, %convert_element_type3A_397, %cond3A_398 : i32
    scf.if %cond3A_399 {
      %dma_wait3A = arith.constant 3 : i32
      %dma_wait3A_409 = arith.constant 15 : i32
      %dma_wait3A_410 = arith.constant 0 : i32
      %dma_wait3A_411 = arith.constant 0 : i32
      %dma_wait3A_412 = tpu.memref_slice %arg5[%dma_wait3A, %dma_wait3A_410, %dma_wait3A_411] : memref<4x128x128xf32, #tpu.memory_space<vmem>> -> memref<1x128x128xf32, #tpu.memory_space<vmem>>
      %dma_wait3A_413 = tpu.memref_squeeze %dma_wait3A_412 : memref<1x128x128xf32, #tpu.memory_space<vmem>> -> memref<128x128xf32, #tpu.memory_space<vmem>>
      %dma_wait3A_414 = arith.constant 0 : i32
      %dma_wait3A_415 = tpu.memref_slice %arg6[%dma_wait3A_409, %dma_wait3A_414] : memref<32x128xi32, #tpu.memory_space<vmem>> -> memref<1x128xi32, #tpu.memory_space<vmem>>
      %dma_wait3A_416 = tpu.memref_squeeze %dma_wait3A_415 : memref<1x128xi32, #tpu.memory_space<vmem>> -> memref<128xi32, #tpu.memory_space<vmem>>
      %dma_wait3A_417 = arith.constant 0 : i32
      %dma_wait3A_418 = arith.constant 0 : i32
      %dma_wait3A_419 = tpu.memref_slice %arg7[%dma_wait3A_417, %dma_wait3A_418] : memref<1024x128xf32, #tpu.memory_space<vmem_shared>> -> memref<1024x128xf32, #tpu.memory_space<vmem_shared>>
      tpu.wait_indirect_dma semaphore(%arg13 : memref<!tpu.dma_semaphore, #tpu.memory_space<semaphore_mem>>) src(%dma_wait3A_413 : memref<128x128xf32, #tpu.memory_space<vmem>>) dst(%dma_wait3A_419 : memref<1024x128xf32, #tpu.memory_space<vmem_shared>>)
    } else {
    }
    %eq3A = arith.constant 30 : i32
    %eq3A_400 = arith.cmpi eq, %add3A, %eq3A : i32
    %convert_element_type3A_401 = arith.extui %eq3A_400 : i1 to i32
    %cond3A_402 = arith.constant 0 : i32
    %cond3A_403 = arith.cmpi ne, %convert_element_type3A_401, %cond3A_402 : i32
    scf.if %cond3A_403 {
      %scan3A_409 = arith.constant 0 : i32
      %scan3A_410 = arith.constant 96 : i32
      %scan3A_411 = arith.addi %scan3A_409, %scan3A_410 : i32
      %scan3A_412 = arith.constant 1 : i32
      scf.for %scan3A_417 = %scan3A_409 to %scan3A_411 step %scan3A_412  : i32 {
        %mul3A_418 = arith.constant 1 : i32
        %mul3A_419 = arith.muli %scan3A_417, %mul3A_418 : i32
        %add3A_420 = arith.constant 32 : i32
        %add3A_421 = arith.addi %add3A_420, %mul3A_419 : i32
        %scan3A_422 = arith.constant 0 : i32
        %scan3A_423 = arith.constant 8 : i32
        %scan3A_424 = arith.addi %scan3A_422, %scan3A_423 : i32
        %scan3A_425 = arith.constant 1 : i32
        scf.for %scan3A_427 = %scan3A_422 to %scan3A_424 step %scan3A_425  : i32 {
          %mul3A_428 = arith.constant 16 : i32
          %mul3A_429 = arith.muli %scan3A_427, %mul3A_428 : i32
          %add3A_430 = arith.constant 0 : i32
          %add3A_431 = arith.addi %add3A_430, %mul3A_429 : i32
          %swap3A = arith.constant 0 : i32
          %swap3A_432 = arith.index_cast %swap3A : i32 to index
          %swap3A_433 = arith.index_cast %add3A_421 : i32 to index
          %swap3A_434 = arith.index_cast %add3A_431 : i32 to index
          %swap3A_435 = tpu.vector_load %arg5[%swap3A_432, %swap3A_433, %swap3A_434] {strides = array<i32>} : memref<4x128x128xf32, #tpu.memory_space<vmem>>, vector<1x1x16xf32>,
          %swap3A_436 = vector.shape_cast %swap3A_435 : vector<1x1x16xf32> to vector<16xf32>
          %swap3A_437 = vector.shape_cast %broadcast_in_dim3A_1 : vector<16xf32> to vector<1x1x16xf32>
          tpu.vector_store %arg5[%swap3A_432, %swap3A_433, %swap3A_434], %swap3A_437 {strides = array<i32>} : memref<4x128x128xf32, #tpu.memory_space<vmem>>, vector<1x1x16xf32>,
        }
        %scan3A_426 = arith.constant 8 : i32
      }
      %scan3A_413 = arith.constant 96 : i32
      %run_scoped3A_414 = arith.constant 0 : i32
      "tpu.region"() ({
        %run_scoped3A_417 = tpu.sem_alloc : memref<!tpu.dma_semaphore, #tpu.memory_space<semaphore_mem>>
        %dma_start3A = arith.constant 0 : i32
        %dma_start3A_418 = arith.constant 0 : i32
        %dma_start3A_419 = tpu.memref_slice %arg5[%run_scoped3A_414, %dma_start3A, %dma_start3A_418] : memref<4x128x128xf32, #tpu.memory_space<vmem>> -> memref<1x32x128xf32, #tpu.memory_space<vmem>>
        %dma_start3A_420 = tpu.memref_squeeze %dma_start3A_419 : memref<1x32x128xf32, #tpu.memory_space<vmem>> -> memref<32x128xf32, #tpu.memory_space<vmem>>
        %dma_start3A_421 = arith.constant 99968 : i32
        %dma_start3A_422 = arith.constant 0 : i32
        %dma_start3A_423 = tpu.memref_slice %arg2[%dma_start3A_421, %dma_start3A_422] : memref<100000x128xf32, #tpu.memory_space<hbm>> -> memref<32x128xf32, #tpu.memory_space<hbm>>
        %dma_start3A_424 = arith.constant 0 : i32
        %dma_start3A_425 = arith.constant 0 : i32
        %dma_start3A_426 = tpu.memref_slice %arg5[%run_scoped3A_414, %dma_start3A_424, %dma_start3A_425] : memref<4x128x128xf32, #tpu.memory_space<vmem>> -> memref<1x32x128xf32, #tpu.memory_space<vmem>>
        %dma_start3A_427 = tpu.memref_squeeze %dma_start3A_426 : memref<1x32x128xf32, #tpu.memory_space<vmem>> -> memref<32x128xf32, #tpu.memory_space<vmem>>
        %dma_start3A_428 = arith.constant 99968 : i32
        %dma_start3A_429 = arith.constant 0 : i32
        %dma_start3A_430 = tpu.memref_slice %arg2[%dma_start3A_428, %dma_start3A_429] : memref<100000x128xf32, #tpu.memory_space<hbm>> -> memref<32x128xf32, #tpu.memory_space<hbm>>
        tpu.enqueue_dma source(%dma_start3A_430 : memref<32x128xf32, #tpu.memory_space<hbm>>) target(%dma_start3A_427 : memref<32x128xf32, #tpu.memory_space<vmem>>) target_semaphore(%run_scoped3A_417 : memref<!tpu.dma_semaphore, #tpu.memory_space<semaphore_mem>>)
        %dma_wait3A = arith.constant 0 : i32
        %dma_wait3A_431 = arith.constant 0 : i32
        %dma_wait3A_432 = tpu.memref_slice %arg5[%run_scoped3A_414, %dma_wait3A, %dma_wait3A_431] : memref<4x128x128xf32, #tpu.memory_space<vmem>> -> memref<1x32x128xf32, #tpu.memory_space<vmem>>
        %dma_wait3A_433 = tpu.memref_squeeze %dma_wait3A_432 : memref<1x32x128xf32, #tpu.memory_space<vmem>> -> memref<32x128xf32, #tpu.memory_space<vmem>>
        %dma_wait3A_434 = arith.constant 99968 : i32
        %dma_wait3A_435 = arith.constant 0 : i32
        %dma_wait3A_436 = tpu.memref_slice %arg2[%dma_wait3A_434, %dma_wait3A_435] : memref<100000x128xf32, #tpu.memory_space<hbm>> -> memref<32x128xf32, #tpu.memory_space<hbm>>
        %dma_wait3A_437 = arith.constant 0 : i32
        %dma_wait3A_438 = arith.constant 0 : i32
        %dma_wait3A_439 = tpu.memref_slice %arg5[%run_scoped3A_414, %dma_wait3A_437, %dma_wait3A_438] : memref<4x128x128xf32, #tpu.memory_space<vmem>> -> memref<1x32x128xf32, #tpu.memory_space<vmem>>
        %dma_wait3A_440 = tpu.memref_squeeze %dma_wait3A_439 : memref<1x32x128xf32, #tpu.memory_space<vmem>> -> memref<32x128xf32, #tpu.memory_space<vmem>>
        %dma_wait3A_441 = arith.constant 99968 : i32
        %dma_wait3A_442 = arith.constant 0 : i32
        %dma_wait3A_443 = tpu.memref_slice %arg2[%dma_wait3A_441, %dma_wait3A_442] : memref<100000x128xf32, #tpu.memory_space<hbm>> -> memref<32x128xf32, #tpu.memory_space<hbm>>
        tpu.wait_dma2 semaphore(%run_scoped3A_417 : memref<!tpu.dma_semaphore, #tpu.memory_space<semaphore_mem>>) src(%dma_wait3A_443 : memref<32x128xf32, #tpu.memory_space<hbm>>) dst(%dma_wait3A_440 : memref<32x128xf32, #tpu.memory_space<vmem>>)
        tpu.yield
      }) : () -> ()
      %run_scoped3A_415 = arith.constant 0 : i32
      %run_scoped3A_416 = arith.constant 13 : i32
      "tpu.region"() ({
        %run_scoped3A_417 = tpu.sem_alloc : memref<!tpu.dma_semaphore, #tpu.memory_space<semaphore_mem>>
        %dma_start3A = arith.constant 0 : i32
        %dma_start3A_418 = arith.constant 0 : i32
        %dma_start3A_419 = tpu.memref_slice %arg5[%run_scoped3A_415, %dma_start3A, %dma_start3A_418] : memref<4x128x128xf32, #tpu.memory_space<vmem>> -> memref<1x128x128xf32, #tpu.memory_space<vmem>>
        %dma_start3A_420 = tpu.memref_squeeze %dma_start3A_419 : memref<1x128x128xf32, #tpu.memory_space<vmem>> -> memref<128x128xf32, #tpu.memory_space<vmem>>
        %dma_start3A_421 = arith.constant 0 : i32
        %dma_start3A_422 = tpu.memref_slice %arg6[%run_scoped3A_416, %dma_start3A_421] : memref<32x128xi32, #tpu.memory_space<vmem>> -> memref<1x128xi32, #tpu.memory_space<vmem>>
        %dma_start3A_423 = tpu.memref_squeeze %dma_start3A_422 : memref<1x128xi32, #tpu.memory_space<vmem>> -> memref<128xi32, #tpu.memory_space<vmem>>
        %dma_start3A_424 = arith.constant 0 : i32
        %dma_start3A_425 = arith.constant 0 : i32
        %dma_start3A_426 = tpu.memref_slice %arg7[%dma_start3A_424, %dma_start3A_425] : memref<1024x128xf32, #tpu.memory_space<vmem_shared>> -> memref<1024x128xf32, #tpu.memory_space<vmem_shared>>
        tpu.enqueue_indirect_dma source(%dma_start3A_420 : memref<128x128xf32, #tpu.memory_space<vmem>>) target(%dma_start3A_426 : memref<1024x128xf32, #tpu.memory_space<vmem_shared>>) offsets(%dma_start3A_423 : memref<128xi32, #tpu.memory_space<vmem>>) semaphore(%run_scoped3A_417 : memref<!tpu.dma_semaphore, #tpu.memory_space<semaphore_mem>>) {add = true}
        %dma_wait3A = arith.constant 0 : i32
        %dma_wait3A_427 = arith.constant 0 : i32
        %dma_wait3A_428 = tpu.memref_slice %arg5[%run_scoped3A_415, %dma_wait3A, %dma_wait3A_427] : memref<4x128x128xf32, #tpu.memory_space<vmem>> -> memref<1x128x128xf32, #tpu.memory_space<vmem>>
        %dma_wait3A_429 = tpu.memref_squeeze %dma_wait3A_428 : memref<1x128x128xf32, #tpu.memory_space<vmem>> -> memref<128x128xf32, #tpu.memory_space<vmem>>
        %dma_wait3A_430 = arith.constant 0 : i32
        %dma_wait3A_431 = tpu.memref_slice %arg6[%run_scoped3A_416, %dma_wait3A_430] : memref<32x128xi32, #tpu.memory_space<vmem>> -> memref<1x128xi32, #tpu.memory_space<vmem>>
        %dma_wait3A_432 = tpu.memref_squeeze %dma_wait3A_431 : memref<1x128xi32, #tpu.memory_space<vmem>> -> memref<128xi32, #tpu.memory_space<vmem>>
        %dma_wait3A_433 = arith.constant 0 : i32
        %dma_wait3A_434 = arith.constant 0 : i32
        %dma_wait3A_435 = tpu.memref_slice %arg7[%dma_wait3A_433, %dma_wait3A_434] : memref<1024x128xf32, #tpu.memory_space<vmem_shared>> -> memref<1024x128xf32, #tpu.memory_space<vmem_shared>>
        tpu.wait_indirect_dma semaphore(%run_scoped3A_417 : memref<!tpu.dma_semaphore, #tpu.memory_space<semaphore_mem>>) src(%dma_wait3A_429 : memref<128x128xf32, #tpu.memory_space<vmem>>) dst(%dma_wait3A_435 : memref<1024x128xf32, #tpu.memory_space<vmem_shared>>)
        tpu.yield
      }) : () -> ()
    } else {
    }
    %barrier3A_404 = arith.constant 0 : index
    tpu.barrier barrier_id(%barrier3A_404)
    %mul3A_405 = arith.constant 64 : i32
    %mul3A_406 = arith.muli %arg1, %mul3A_405 : i32
    %mul3A_407 = arith.constant 64 : i32
    %mul3A_408 = arith.muli %arg1, %mul3A_407 : i32
    "tpu.region"() ({
      %run_scoped3A_409 = tpu.sem_alloc : memref<!tpu.dma_semaphore, #tpu.memory_space<semaphore_mem>>
      %dma_start3A = arith.constant 0 : i32
      %dma_start3A_410 = tpu.memref_slice %arg4[%arg0, %mul3A_408, %dma_start3A] : memref<2x1024x128xf32, #tpu.memory_space<hbm>> -> memref<1x64x128xf32, #tpu.memory_space<hbm>>
      %dma_start3A_411 = tpu.memref_squeeze %dma_start3A_410 : memref<1x64x128xf32, #tpu.memory_space<hbm>> -> memref<64x128xf32, #tpu.memory_space<hbm>>
      %dma_start3A_412 = arith.constant 0 : i32
      %dma_start3A_413 = tpu.memref_slice %arg7[%mul3A_406, %dma_start3A_412] : memref<1024x128xf32, #tpu.memory_space<vmem_shared>> -> memref<64x128xf32, #tpu.memory_space<vmem_shared>>
      tpu.enqueue_dma source(%dma_start3A_413 : memref<64x128xf32, #tpu.memory_space<vmem_shared>>) target(%dma_start3A_411 : memref<64x128xf32, #tpu.memory_space<hbm>>) target_semaphore(%run_scoped3A_409 : memref<!tpu.dma_semaphore, #tpu.memory_space<semaphore_mem>>)
      %dma_wait3A = arith.constant 0 : i32
      %dma_wait3A_414 = tpu.memref_slice %arg4[%arg0, %mul3A_408, %dma_wait3A] : memref<2x1024x128xf32, #tpu.memory_space<hbm>> -> memref<1x64x128xf32, #tpu.memory_space<hbm>>
      %dma_wait3A_415 = tpu.memref_squeeze %dma_wait3A_414 : memref<1x64x128xf32, #tpu.memory_space<hbm>> -> memref<64x128xf32, #tpu.memory_space<hbm>>
      %dma_wait3A_416 = arith.constant 0 : i32
      %dma_wait3A_417 = tpu.memref_slice %arg7[%mul3A_406, %dma_wait3A_416] : memref<1024x128xf32, #tpu.memory_space<vmem_shared>> -> memref<64x128xf32, #tpu.memory_space<vmem_shared>>
      tpu.wait_dma2 semaphore(%run_scoped3A_409 : memref<!tpu.dma_semaphore, #tpu.memory_space<semaphore_mem>>) src(%dma_wait3A_417 : memref<64x128xf32, #tpu.memory_space<vmem_shared>>) dst(%dma_wait3A_415 : memref<64x128xf32, #tpu.memory_space<hbm>>)
      tpu.yield
    }) : () -> ()
    return
  }
}

module attributes {stable_mosaic.version = 14 : i64} {
  func.func @_tc_pool_kernel(%arg0: i32, %arg1: memref<4096x128xf32, #tpu.memory_space<vmem>>, %arg2: memref<1x1x4096xi32, #tpu.memory_space<vmem>>, %arg3: memref<1024x128xf32, #tpu.memory_space<vmem>>, %arg4: memref<1152x128xf32, #tpu.memory_space<vmem>>) attributes {dimension_semantics = [#tpu.dimension_semantics<arbitrary>], iteration_bounds = array<i64: 9>, scalar_prefetch = 0 : i64, scratch_operands = 1 : i64, tpu.core_type = #tpu.core_type<tc>, window_params = [{transform_indices = @transform_0, window_bounds = array<i64: 4096, 128>}, {transform_indices = @transform_1, window_bounds = array<i64: 1, 1, 4096>}, {pipeline_mode = #tpu.pipeline_mode<synchronous>, transform_indices = @transform_2, window_bounds = array<i64: 1024, 128>}]} {
    %eq3A = arith.constant 0 : i32
    %eq3A_0 = arith.cmpi eq, %arg0, %eq3A : i32
    %convert_element_type3A = arith.extui %eq3A_0 : i1 to i32
    %cond3A = arith.constant 0 : i32
    %cond3A_1 = arith.cmpi ne, %convert_element_type3A, %cond3A : i32
    scf.if %cond3A_1 {
      %broadcast_in_dim3A_38 = arith.constant 0.000000e+00 : f32
      %broadcast_in_dim3A_39 = vector.broadcast %broadcast_in_dim3A_38 : f32 to vector<1152x128xf32>
      %swap3A_40 = arith.constant 0 : index
      %swap3A_41 = arith.constant 0 : index
      %swap3A_42 = vector.load %arg4[%swap3A_40, %swap3A_41] : memref<1152x128xf32, #tpu.memory_space<vmem>>, vector<1152x128xf32>
      tpu.vector_store %arg4[%swap3A_40, %swap3A_41], %broadcast_in_dim3A_39 {strides = array<i32>} : memref<1152x128xf32, #tpu.memory_space<vmem>>, vector<1152x128xf32>,
    } else {
    }
    %get3A = arith.constant 0 : index
    %get3A_2 = arith.constant 0 : index
    %get3A_3 = arith.constant 0 : index
    %get3A_4 = vector.load %arg2[%get3A, %get3A_2, %get3A_3] : memref<1x1x4096xi32, #tpu.memory_space<vmem>>, vector<1x1x4096xi32>
    %get3A_5 = vector.shape_cast %get3A_4 : vector<1x1x4096xi32> to vector<4096xi32>
    %get3A_6 = arith.constant 0 : index
    %get3A_7 = arith.constant 0 : index
    %get3A_8 = vector.load %arg1[%get3A_6, %get3A_7] : memref<4096x128xf32, #tpu.memory_space<vmem>>, vector<4096x128xf32>
    %convert_element_type3A_9 = arith.truncf %get3A_8 : vector<4096x128xf32> to vector<4096x128xbf16>
    %get3A_10 = arith.constant 0 : index
    %get3A_11 = arith.constant 0 : index
    %get3A_12 = arith.constant 0 : index
    %get3A_13 = vector.load %arg2[%get3A_10, %get3A_11, %get3A_12] : memref<1x1x4096xi32, #tpu.memory_space<vmem>>, vector<1x1x1xi32>
    %get3A_14 = vector.extract %get3A_13[0, 0, 0] : i32 from vector<1x1x1xi32>
    %iota3A = tpu.iota {dimensions = array<i32: 0>} : vector<128x4096xi32>
    %add3A = vector.broadcast %get3A_14 : i32 to vector<128x4096xi32>
    %add3A_15 = arith.addi %iota3A, %add3A : vector<128x4096xi32>
    %broadcast_in_dim3A = vector.shape_cast %get3A_5 : vector<4096xi32> to vector<1x4096xi32>
    %eq3A_16 = vector.broadcast %broadcast_in_dim3A : vector<1x4096xi32> to vector<128x4096xi32>
    %eq3A_17 = arith.cmpi eq, %add3A_15, %eq3A_16 : vector<128x4096xi32>
    %convert_element_type3A_18 = arith.extui %eq3A_17 : vector<128x4096xi1> to vector<128x4096xi32>
    %convert_element_type3A_19 = arith.sitofp %convert_element_type3A_18 : vector<128x4096xi32> to vector<128x4096xf32>
    %convert_element_type3A_20 = arith.truncf %convert_element_type3A_19 : vector<128x4096xf32> to vector<128x4096xbf16>
    %get3A_21 = arith.index_cast %get3A_14 : i32 to index
    %get3A_22 = arith.constant 0 : index
    %get3A_23 = vector.load %arg4[%get3A_21, %get3A_22] : memref<1152x128xf32, #tpu.memory_space<vmem>>, vector<128x128xf32>
    %dot_general3A = arith.constant dense<0.000000e+00> : vector<128x128xf32>
    %dot_general3A_24 = tpu.matmul %convert_element_type3A_20, %convert_element_type3A_9, %dot_general3A {dimension_numbers = #tpu.dot_dimension_numbers<[1], [0], [0], [1], [0, 0, 1, 1], [], []>, transpose_lhs_hint = false} : vector<128x4096xbf16>, vector<4096x128xbf16>, vector<128x128xf32> -> vector<128x128xf32>
    %add3A_25 = arith.addf %get3A_23, %dot_general3A_24 : vector<128x128xf32>
    %swap3A = arith.index_cast %get3A_14 : i32 to index
    %swap3A_26 = arith.constant 0 : index
    %swap3A_27 = vector.load %arg4[%swap3A, %swap3A_26] : memref<1152x128xf32, #tpu.memory_space<vmem>>, vector<128x128xf32>
    tpu.vector_store %arg4[%swap3A, %swap3A_26], %add3A_25 {strides = array<i32>} : memref<1152x128xf32, #tpu.memory_space<vmem>>, vector<128x128xf32>,
    %slice3A = vector.extract_strided_slice %get3A_5 {offsets = [4095], sizes = [1], strides = [1]} : vector<4096xi32> to vector<1xi32>
    %squeeze3A = vector.extract %slice3A[0] : i32 from vector<1xi32>
    %add3A_28 = arith.constant 128 : i32
    %add3A_29 = arith.addi %get3A_14, %add3A_28 : i32
    %ge3A = arith.cmpi sge, %squeeze3A, %add3A_29 : i32
    %convert_element_type3A_30 = arith.extui %ge3A : i1 to i32
    %cond3A_31 = arith.constant 0 : i32
    %cond3A_32 = arith.cmpi ne, %convert_element_type3A_30, %cond3A_31 : i32
    scf.if %cond3A_32 {
      %iota3A_38 = tpu.iota {dimensions = array<i32: 0>} : vector<1024x4096xi32>
      %broadcast_in_dim3A_39 = vector.shape_cast %get3A_5 : vector<4096xi32> to vector<1x4096xi32>
      %eq3A_40 = vector.broadcast %broadcast_in_dim3A_39 : vector<1x4096xi32> to vector<1024x4096xi32>
      %eq3A_41 = arith.cmpi eq, %iota3A_38, %eq3A_40 : vector<1024x4096xi32>
      %broadcast_in_dim3A_42 = vector.shape_cast %get3A_5 : vector<4096xi32> to vector<1x4096xi32>
      %add3A_43 = arith.constant 128 : i32
      %add3A_44 = arith.addi %get3A_14, %add3A_43 : i32
      %ge3A_45 = vector.broadcast %add3A_44 : i32 to vector<1x4096xi32>
      %ge3A_46 = arith.cmpi sge, %broadcast_in_dim3A_42, %ge3A_45 : vector<1x4096xi32>
      %and3A = vector.broadcast %ge3A_46 : vector<1x4096xi1> to vector<1024x4096xi1>
      %and3A_47 = arith.andi %eq3A_41, %and3A : vector<1024x4096xi1>
      %convert_element_type3A_48 = arith.extui %and3A_47 : vector<1024x4096xi1> to vector<1024x4096xi32>
      %convert_element_type3A_49 = arith.sitofp %convert_element_type3A_48 : vector<1024x4096xi32> to vector<1024x4096xf32>
      %convert_element_type3A_50 = arith.truncf %convert_element_type3A_49 : vector<1024x4096xf32> to vector<1024x4096xbf16>
      %get3A_51 = arith.constant 0 : index
      %get3A_52 = arith.constant 0 : index
      %get3A_53 = vector.load %arg4[%get3A_51, %get3A_52] : memref<1152x128xf32, #tpu.memory_space<vmem>>, vector<1024x128xf32>
      %dot_general3A_54 = arith.constant dense<0.000000e+00> : vector<1024x128xf32>
      %dot_general3A_55 = tpu.matmul %convert_element_type3A_50, %convert_element_type3A_9, %dot_general3A_54 {dimension_numbers = #tpu.dot_dimension_numbers<[1], [0], [0], [1], [0, 0, 1, 1], [], []>, transpose_lhs_hint = false} : vector<1024x4096xbf16>, vector<4096x128xbf16>, vector<1024x128xf32> -> vector<1024x128xf32>
      %add3A_56 = arith.addf %get3A_53, %dot_general3A_55 : vector<1024x128xf32>
      %swap3A_57 = arith.constant 0 : index
      %swap3A_58 = arith.constant 0 : index
      %swap3A_59 = vector.load %arg4[%swap3A_57, %swap3A_58] : memref<1152x128xf32, #tpu.memory_space<vmem>>, vector<1024x128xf32>
      tpu.vector_store %arg4[%swap3A_57, %swap3A_58], %add3A_56 {strides = array<i32>} : memref<1152x128xf32, #tpu.memory_space<vmem>>, vector<1024x128xf32>,
    } else {
    }
    %eq3A_33 = arith.constant 8 : i32
    %eq3A_34 = arith.cmpi eq, %arg0, %eq3A_33 : i32
    %convert_element_type3A_35 = arith.extui %eq3A_34 : i1 to i32
    %cond3A_36 = arith.constant 0 : i32
    %cond3A_37 = arith.cmpi ne, %convert_element_type3A_35, %cond3A_36 : i32
    scf.if %cond3A_37 {
      %get3A_38 = arith.constant 0 : index
      %get3A_39 = arith.constant 0 : index
      %get3A_40 = vector.load %arg4[%get3A_38, %get3A_39] : memref<1152x128xf32, #tpu.memory_space<vmem>>, vector<1024x128xf32>
      %swap3A_41 = arith.constant 0 : index
      %swap3A_42 = arith.constant 0 : index
      %swap3A_43 = vector.load %arg3[%swap3A_41, %swap3A_42] : memref<1024x128xf32, #tpu.memory_space<vmem>>, vector<1024x128xf32>
      tpu.vector_store %arg3[%swap3A_41, %swap3A_42], %get3A_40 {strides = array<i32>} : memref<1024x128xf32, #tpu.memory_space<vmem>>, vector<1024x128xf32>,
    } else {
    }
    return
  }
  func.func @transform_0(%arg0: i32) -> (i32, i32) {
    %c0_i32 = arith.constant 0 : i32
    %c0_i32_0 = arith.constant 0 : i32
    return %arg0, %c0_i32 : i32, i32
  }
  func.func @transform_1(%arg0: i32) -> (i32, i32, i32) {
    %c0_i32 = arith.constant 0 : i32
    %c0_i32_0 = arith.constant 0 : i32
    %c0_i32_1 = arith.constant 0 : i32
    return %arg0, %c0_i32, %c0_i32_0 : i32, i32, i32
  }
  func.func @transform_2(%arg0: i32) -> (i32, i32) {
    %c0_i32 = arith.constant 0 : i32
    %c0_i32_0 = arith.constant 0 : i32
    %c0_i32_1 = arith.constant 0 : i32
    return %c0_i32, %c0_i32_0 : i32, i32
  }
}

module attributes {stable_mosaic.version = 14 : i64} {
  func.func @_mlp_kernel(%arg0: memref<2x1024x128xf32, #tpu.memory_space<vmem>>, %arg1: memref<1024x128xf32, #tpu.memory_space<vmem>>, %arg2: memref<128x256xf32, #tpu.memory_space<vmem>>, %arg3: memref<1x256xf32, #tpu.memory_space<vmem>>, %arg4: memref<256x128xf32, #tpu.memory_space<vmem>>, %arg5: memref<1x128xf32, #tpu.memory_space<vmem>>, %arg6: memref<128x1xf32, #tpu.memory_space<vmem>>, %arg7: memref<1x1xf32, #tpu.memory_space<vmem>>, %arg8: memref<1024x1xf32, #tpu.memory_space<vmem>>) attributes {dimension_semantics = [], scalar_prefetch = 0 : i64, scratch_operands = 0 : i64, tpu.core_type = #tpu.core_type<tc>} {
    %get3A = arith.constant 0 : index
    %get3A_0 = arith.constant 0 : index
    %get3A_1 = arith.constant 0 : index
    %get3A_2 = vector.load %arg0[%get3A, %get3A_0, %get3A_1] : memref<2x1024x128xf32, #tpu.memory_space<vmem>>, vector<1x1024x128xf32>
    %get3A_3 = vector.shape_cast %get3A_2 : vector<1x1024x128xf32> to vector<1024x128xf32>
    %get3A_4 = arith.constant 1 : index
    %get3A_5 = arith.constant 0 : index
    %get3A_6 = arith.constant 0 : index
    %get3A_7 = vector.load %arg0[%get3A_4, %get3A_5, %get3A_6] : memref<2x1024x128xf32, #tpu.memory_space<vmem>>, vector<1x1024x128xf32>
    %get3A_8 = vector.shape_cast %get3A_7 : vector<1x1024x128xf32> to vector<1024x128xf32>
    %add3A = arith.addf %get3A_3, %get3A_8 : vector<1024x128xf32>
    %get3A_9 = arith.constant 0 : index
    %get3A_10 = arith.constant 0 : index
    %get3A_11 = vector.load %arg1[%get3A_9, %get3A_10] : memref<1024x128xf32, #tpu.memory_space<vmem>>, vector<1024x128xf32>
    %add3A_12 = arith.addf %add3A, %get3A_11 : vector<1024x128xf32>
    %get3A_13 = arith.constant 0 : index
    %get3A_14 = arith.constant 0 : index
    %get3A_15 = vector.load %arg2[%get3A_13, %get3A_14] : memref<128x256xf32, #tpu.memory_space<vmem>>, vector<128x256xf32>
    %dot_general3A = arith.constant dense<0.000000e+00> : vector<1024x256xf32>
    %dot_general3A_16 = tpu.matmul %add3A_12, %get3A_15, %dot_general3A {dimension_numbers = #tpu.dot_dimension_numbers<[1], [0], [0], [1], [0, 0, 1, 1], [], []>, transpose_lhs_hint = false} : vector<1024x128xf32>, vector<128x256xf32>, vector<1024x256xf32> -> vector<1024x256xf32>
    %get3A_17 = arith.constant 0 : index
    %get3A_18 = arith.constant 0 : index
    %get3A_19 = vector.load %arg3[%get3A_17, %get3A_18] : memref<1x256xf32, #tpu.memory_space<vmem>>, vector<1x256xf32>
    %add3A_20 = vector.broadcast %get3A_19 : vector<1x256xf32> to vector<1024x256xf32>
    %add3A_21 = arith.addf %dot_general3A_16, %add3A_20 : vector<1024x256xf32>
    %max3A = arith.constant 0.000000e+00 : f32
    %max3A_22 = vector.broadcast %max3A : f32 to vector<1024x256xf32>
    %max3A_23 = arith.maximumf %add3A_21, %max3A_22 : vector<1024x256xf32>
    %get3A_24 = arith.constant 0 : index
    %get3A_25 = arith.constant 0 : index
    %get3A_26 = vector.load %arg4[%get3A_24, %get3A_25] : memref<256x128xf32, #tpu.memory_space<vmem>>, vector<256x128xf32>
    %dot_general3A_27 = arith.constant dense<0.000000e+00> : vector<1024x128xf32>
    %dot_general3A_28 = tpu.matmul %max3A_23, %get3A_26, %dot_general3A_27 {dimension_numbers = #tpu.dot_dimension_numbers<[1], [0], [0], [1], [0, 0, 1, 1], [], []>, transpose_lhs_hint = false} : vector<1024x256xf32>, vector<256x128xf32>, vector<1024x128xf32> -> vector<1024x128xf32>
    %get3A_29 = arith.constant 0 : index
    %get3A_30 = arith.constant 0 : index
    %get3A_31 = vector.load %arg5[%get3A_29, %get3A_30] : memref<1x128xf32, #tpu.memory_space<vmem>>, vector<1x128xf32>
    %add3A_32 = vector.broadcast %get3A_31 : vector<1x128xf32> to vector<1024x128xf32>
    %add3A_33 = arith.addf %dot_general3A_28, %add3A_32 : vector<1024x128xf32>
    %max3A_34 = arith.constant 0.000000e+00 : f32
    %max3A_35 = vector.broadcast %max3A_34 : f32 to vector<1024x128xf32>
    %max3A_36 = arith.maximumf %add3A_33, %max3A_35 : vector<1024x128xf32>
    %get3A_37 = arith.constant 0 : index
    %get3A_38 = arith.constant 0 : index
    %get3A_39 = vector.load %arg6[%get3A_37, %get3A_38] : memref<128x1xf32, #tpu.memory_space<vmem>>, vector<128x1xf32>
    %dot_general3A_40 = arith.constant dense<0.000000e+00> : vector<1024x1xf32>
    %dot_general3A_41 = tpu.matmul %max3A_36, %get3A_39, %dot_general3A_40 {dimension_numbers = #tpu.dot_dimension_numbers<[1], [0], [0], [1], [0, 0, 1, 1], [], []>, transpose_lhs_hint = false} : vector<1024x128xf32>, vector<128x1xf32>, vector<1024x1xf32> -> vector<1024x1xf32>
    %get3A_42 = arith.constant 0 : index
    %get3A_43 = arith.constant 0 : index
    %get3A_44 = vector.load %arg7[%get3A_42, %get3A_43] : memref<1x1xf32, #tpu.memory_space<vmem>>, vector<1x1xf32>
    %add3A_45 = vector.broadcast %get3A_44 : vector<1x1xf32> to vector<1024x1xf32>
    %add3A_46 = arith.addf %dot_general3A_41, %add3A_45 : vector<1024x1xf32>
    %swap3A = arith.constant 0 : index
    %swap3A_47 = arith.constant 0 : index
    %swap3A_48 = vector.load %arg8[%swap3A, %swap3A_47] : memref<1024x1xf32, #tpu.memory_space<vmem>>, vector<1024x1xf32>
    tpu.vector_store %arg8[%swap3A, %swap3A_47], %add3A_46 {strides = array<i32>} : memref<1024x1xf32, #tpu.memory_space<vmem>>, vector<1024x1xf32>,
    return
  }
}

</mosaic_0001>

<sc_bundles>
// kernel: kernel.5.cloned.1.call-start
scs
__scs_entry_jumppad:
0x0: {  	(pc) =	sbr.rel $0x88, $3  }
0x1: {  	(tag) =	ssettag $0x0;
	lr =	simm.s32 $0x1  }
0x2: {  	[smem:$0x3F99] =	sst lr;
	_ =	strace $0xD0000000  }
0x3: {  	_ = 	snop  }
0x4: {  	_ = 	snop  }
0x5: {  	_ = 	snop  }
0x6: {  	_ = 	snop  }
0x7: {  	_ = 	snop  }
__scs_overlays_trampoline_lowered:
0x8: {  	[smem:$0x3FA8] =	sst s0  }
0x9: {  	[smem:$0x3FA9] =	sst s1  }
0xa: {  	[smem:$0x3FAA] =	sst s2  }
0xb: {  	[smem:$0x3FAB] =	sst s3  }
0xc: {  	[smem:$0x3FAC] =	sst s4  }
0xd: {  	[smem:$0x3FAD] =	sst s5  }
0xe: {  	[smem:$0x3FAE] =	sst s6  }
0xf: {  	[smem:$0x3FAF] =	sst s7  }
0x10: {  	[smem:$0x3FB0] =	sst s8  }
0x11: {  	[smem:$0x3FB1] =	sst s9;
	s0 =	simm.s32 @!p0 $0x0  }
0x12: {  	s1 =	sld [smem:$0x3F97];
	s0 =	simm.s32 @p0 $0x1  }
0x13: {  	[smem:$0x3FB2] =	sst s0;
	s0 =	simm.s32 @!p1 $0x0  }
0x14: {  	s2 =	sld [smem:$0x3F96];
	s0 =	simm.s32 @p1 $0x1  }
0x15: {  	[smem:$0x3FB3] =	sst s0;
	s0 =	simm.s32 @!p2 $0x0  }
0x16: {  	s3 =	sld [smem:$0x3FDB];
	s0 =	simm.s32 @p2 $0x1  }
0x17: {  	s4 =	simm.s32 $0x1BF5;
	[smem:$0x3FB5] =	sst s0  }
0x18: {  	s0 =	sld [smem:$0x3F98];
	_ =	swait.ge [sflag:s4], $0x0  }
0x19: {  	s7 =	sld [smem:$0x3F99]  }
0x1a: {  	s8 =	sadd.s32 $0xFFFFE003, lr  }
0x1b: {  	s9 =	sadd.s32 $0xFFFFFEF7, lr;
	s5 =	simm.s32 $0xFFFFFFFF;
	p2 =	slt.u32 s8, $0xFFFFF086  }
0x1c: {  	p1 =	slt.u32 s9, $0xF7A;
	s5 =	simm.s32 @!p2 $0x0  }
0x1d: {  	s5 =	simm.s32 @p1 $0x1;
	p0 =	seq.s32 s7, s2  }
0x1e: {  	s7 =	smul.u32 @!p0 $0xF7A, s2;
	p2 =	seq.s32 @!p0 s5, $0x0  }
0x1f: {  	s9 =	smul.u32 $0xF7A, s1;
	s8 =	simm.s32 @!p0 $0x1BF5;
	p2 =	por !p2, p0  }
0x20: {  	[sflag:s8] =	ssyncset.s32 @!p0 $0xFFFFF086;
	s6 =	sadd.s32 @!p0 s3, s7;
	s7 =	simm.s32 @!p0 $0x108  }
0x21: {  	s3 =	sadd.s32 s3, s9;
	s6 =	sadd.s32 @!p0 $0x88, s6;
	s7 =	simm.s32 @p2 $0x1082  }
0x22: {  	[simem:s7], [sflag:s8] =	dma.local @!p0 [hbm:s6], $0xF7A  }
0x23: {  	s9 =	sor.u32 $0xD0000000, s2;
	s6 =	simm.s32 $0x108;
	_ =	swait.ge @!p0 [sflag:s8], $0x0  }
0x24: {  	s3 =	sadd.s32 $0x88, s3;
	s6 =	simm.s32 @!p1 $0x1082;
	[sflag:s4] =	ssyncset.s32 $0xFFFFF086  }
0x25: {  	[simem:s6], [sflag:s4] =	dma.local [hbm:s3], $0xF7A  }
0x26: {  	[smem:$0x3F99] =	sst s1;
	(tag) =	ssettag s2;
	_ =	strace s9  }
0x27: {  	s1 =	sld [smem:$0x3FA9]  }
0x28: {  	s2 =	sld [smem:$0x3FAA]  }
0x29: {  	s4 =	sld [smem:$0x3FAC]  }
0x2a: {  	p0 =	seq.s32 s5, $0x0;
	s5 =	sld [smem:$0x3FAD]  }
0x2b: {  	s6 =	sld [smem:$0x3FAE]  }
0x2c: {  	s7 =	sld [smem:$0x3FAF]  }
0x2d: {  	s3 =	simm.s32 $0x108;
	s8 =	sld [smem:$0x3FB0]  }
0x2e: {  	s3 =	simm.s32 @!p0 $0x1082;
	s9 =	sld [smem:$0x3FB1]  }
0x2f: {  	lr =	sadd.s32 s0, s3;
	s0 =	sld [smem:$0x3FA8]  }
0x30: {  	s3 =	sld [smem:$0x3FAB]  }
0x31: {  	[smem:$0x3FB4] =	sst s10  }
0x32: {  	s10 =	sld [smem:$0x3FB2];
	_ =	sdelay $0x3  }
0x33: {  	p0 =	seq.s32 s10, $0x1;
	s10 =	sld [smem:$0x3FB4];
	_ =	sdelay $0x3  }
0x34: {  	[smem:$0x3FB4] =	sst s10  }
0x35: {  	s10 =	sld [smem:$0x3FB3];
	_ =	sdelay $0x3  }
0x36: {  	p1 =	seq.s32 s10, $0x1;
	s10 =	sld [smem:$0x3FB4];
	_ =	sdelay $0x3  }
0x37: {  	[smem:$0x3FB4] =	sst s10  }
0x38: {  	s10 =	sld [smem:$0x3FB5]  }
0x39: {  	_ = 	snop;
	(pc) =	sbr.ind lr, $3  }
0x3a: {  	_ = 	snop  }
0x3b: {  	_ = 	snop  }
0x3c: {  	p2 =	seq.s32 s10, $0x1;
	s10 =	sld [smem:$0x3FB4]  }
0x3d: {  	_ =	shalt  }
0x3e: {  	_ =	shalt  }
0x3f: {  	_ =	shalt  }
0x40: {  	_ =	shalt  }
0x41: {  	_ =	shalt  }
0x42: {  	_ =	shalt  }
0x43: {  	_ =	shalt  }
0x44: {  	_ =	shalt  }
0x45: {  	_ =	shalt  }
0x46: {  	_ =	shalt  }
0x47: {  	_ =	shalt  }
0x48: {  	_ =	shalt  }
0x49: {  	_ =	shalt  }
0x4a: {  	_ =	shalt  }
0x4b: {  	_ =	shalt  }
0x4c: {  	_ =	shalt  }
0x4d: {  	_ =	shalt  }
0x4e: {  	_ =	shalt  }
0x4f: {  	_ =	shalt  }
0x50: {  	_ =	shalt  }
0x51: {  	_ =	shalt  }
0x52: {  	_ =	shalt  }
0x53: {  	_ =	shalt  }
0x54: {  	_ =	shalt  }
0x55: {  	_ =	shalt  }
0x56: {  	_ =	shalt  }
0x57: {  	_ =	shalt  }
0x58: {  	_ =	shalt  }
0x59: {  	_ =	shalt  }
0x5a: {  	_ =	shalt  }
0x5b: {  	_ =	shalt  }
0x5c: {  	_ =	shalt  }
0x5d: {  	_ =	shalt  }
0x5e: {  	_ =	shalt  }
0x5f: {  	_ =	shalt  }
0x60: {  	_ =	shalt  }
0x61: {  	_ =	shalt  }
0x62: {  	_ =	shalt  }
0x63: {  	_ =	shalt  }
0x64: {  	_ =	shalt  }
0x65: {  	_ =	shalt  }
0x66: {  	_ =	shalt  }
0x67: {  	_ =	shalt  }
0x68: {  	_ =	shalt  }
0x69: {  	_ =	shalt  }
0x6a: {  	_ =	shalt  }
0x6b: {  	_ =	shalt  }
0x6c: {  	_ =	shalt  }
0x6d: {  	_ =	shalt  }
0x6e: {  	_ =	shalt  }
0x6f: {  	_ =	shalt  }
0x70: {  	_ =	shalt  }
0x71: {  	_ =	shalt  }
0x72: {  	_ =	shalt  }
0x73: {  	_ =	shalt  }
0x74: {  	_ =	shalt  }
0x75: {  	_ =	shalt  }
0x76: {  	_ =	shalt  }
0x77: {  	_ =	shalt  }
0x78: {  	_ =	shalt  }
0x79: {  	_ =	shalt  }
0x7a: {  	_ =	shalt  }
0x7b: {  	_ =	shalt  }
0x7c: {  	_ =	shalt  }
0x7d: {  	_ =	shalt  }
0x7e: {  	_ =	shalt  }
0x7f: {  	_ =	shalt  }
0x80: {  	_ =	shalt  }
0x81: {  	_ =	shalt  }
0x82: {  	_ =	shalt  }
0x83: {  	_ =	shalt  }
0x84: {  	_ =	shalt  }
0x85: {  	_ =	shalt  }
0x86: {  	_ =	shalt  }
0x87: {  	_ =	shalt  }
.Lfunc_end0:
.L_simem_size_0:
called_computation_lowered:
.L_overlay_start_0:
0x88: {  	s2 =	sld [smem:$0x3FD9]  }
0x89: {  	s3 =	sld [smem:$0x3FFE];
	_ =	sdelay $0x1  }
0x8a: {  	s1 =	srdreg.scid  }
0x8b: {  	s0 =	sand.u32 $0x1, s1  }
0x8c: {  	s17 =	sshll.u32 s0, $0xA;
	s2 =	sadd.s32 s3, s2  }
0x8d: {  	s2 =	sadd.s32 s2, s17  }
0x8e: {  	[smem:$0x3FC0] =	sst s2  }
0x8f: {  	_ = 	snop  }
0x90: {  	s2 =	sld [smem:$0x3FC9];
	(tm) =	ssettm $0x1  }
0x91: {  	s18 =	sld [smem:$0x3FFB];
	_ =	sdelay $0x3  }
0x92: {  	_ =	strace s18  }
0x93: {  	s3 =	sld [smem:$0x3FFC];
	_ =	sdelay $0x3  }
0x94: {  	_ =	strace s3  }
0x95: {  	s3 =	sld [smem:$0x3FFD];
	_ =	sdelay $0x3  }
0x96: {  	_ =	strace s3  }
0x97: {  	_ =	strace $0x8FFFFFFF  }
0x98: {  	s19 =	sld [smem:$0x3FDB];
	_ =	sdelay $0x1  }
0x99: {  	s4 =	simm.s32 $_scs_section_size  }
0x9a: {  	s5 =	simm.s32 $_size__tile_overlayer_lowered;
	s6 =	simm.s32 $_tile_overlayer_lowered  }
0x9b: {  	s22 =	simm.s32 $0x1BFF;
	s21 =	sshll.u32 s6, $0x1;
	s3 =	sadd.s32 s4, s19  }
0x9c: {  	s7 =	simm.s32 $0x0;
	s20 =	sshll.u32 s5, $0x1;
	s5 =	sadd.s32 s21, s3  }
0x9d: {  	[timem:s7], [sflag:s22] =	dma.local [hbm:s5], s20  }
0x9e: {  	_ =	swait.ge [sflag:s22], s20  }
0x9f: {  	s4 =	ssub.s32 $0x0, s20;
	[sflag:s22] =	ssyncset.done $0x0  }
0xa0: {  	[sflag:s22] =	ssyncadd.s32 s4;
	_ =	sdelay $0x1  }
0xa1: {  	s23 =	simm.s32 $0x1B8B  }
0xa2: {  	_ =	swait.ge [sflag:s23], $0x1  }
0xa3: {  	[sflag:s23] =	ssyncset.done $0x0  }
0xa4: {  	s25 =	simm.s32 $0x1B8E;
	s24 =	sld [smem:$0x3FFE];
	[sflag:s23] =	ssyncadd.s32 $0xFFFFFFFF  }
0xa5: {  	s26 =	simm.s32 $execute0_lowered;
	[smem:$0x3FD2] =	sst s25  }
0xa6: {  	s5 =	sshll.u32 s26, $0x1;
	_ =	strace $0x80000046;
	[dreg:$0x1] =	wrdreg $0xFFFFFFFF  }
0xa7: {  	s28 =	simm.s32 $_size_execute0_lowered;
	s3 =	sadd.s32 s3, s5;
	[dreg:$0x0] =	wrdreg $0x0  }
0xa8: {  	s5 =	sshll.u32 s28, $0x1;
	[dreg:$0x2] =	wrdreg s3  }
0xa9: {  	[dreg:$0x3] =	wrdreg s5  }
0xaa: {  	[dreg:$0x4] =	wrdreg $0xC0  }
0xab: {  	_ =	task [dreg:s7], $0x5FFFF  }
0xac: {  	[dreg:$0x1] =	wrdreg $0xFFFFFFFF  }
0xad: {  	[dreg:$0x0] =	wrdreg $0x60  }
0xae: {  	[dreg:$0x2] =	wrdreg s2  }
0xaf: {  	[dreg:$0x3] =	wrdreg s24  }
0xb0: {  	[dreg:$0x4] =	wrdreg $0x110000  }
0xb1: {  	[dreg:$0x5] =	wrdreg $0x9  }
0xb2: {  	_ =	task.clear_ibuf [dreg:s7], $0x6FFFF;
	_ =	strace $0x90000046  }
0xb3: {  	s29 =	simm.s32 $0x9;
	_ =	strace $0x80000048  }
0xb4: {  	_ =	swait.ge [sflag:s29], $0x1  }
0xb5: {  	[sflag:s29] =	ssyncadd.s32 $0xFFFFFFFF  }
0xb6: {  	_ =	strace $0x90000048  }
0xb7: {  	_ =	sfence  }
0xb8: {  	s30 =	sld [smem:$0x0];
	_ =	sdelay $0x2  }
0xb9: {  	s31 =	sshll.u32 s1, $0xD;
	s1 =	sshrl.u32 s1, $0x2  }
0xba: {  	s3 =	sand.u32 $0x4000, s31;
	s1 =	sadd.s32 s1, s30  }
0xbb: {  	s0 =	sor.u32 s3, s0;
	s1 =	sshll.u32 s1, $0x11  }
0xbc: {  	s0 =	sor.u32 s1, s0  }
0xbd: {  	s0 =	sadd.s32 $0x8F2B, s0  }
0xbe: {  	[sflag:s0] =	ssyncadd.remote.s32 $0x1  }
0xbf: {  	_ =	sfence.sel $0xFFFF  }
0xc0: {  	[dreg:$0x0] =	wrdreg $0xFFFFFFFF;
	(pc) =	sbr.abs _section_cstart, $3  }
0xc1: {  	[dreg:$0x1] =	wrdreg $0xFFFFFFFF  }
0xc2: {  	_ =	task.clear_ibuf [dreg:s7], $0x2FFFF;
	_ =	strace $0x9FFFFFFF  }
0xc3: {  	(tm) =	ssettm $0x7FFFFFFF  }
tec
execute0_lowered:
.L_overlay_start_1:
0x0: {  	(tag) =	ssettag $0x1  }
0x1: {  	s0 =	rddreg [dreg:$0x0]  }
0x2: {  	s4 =	rddreg [dreg:$0x1]  }
0x3: {  	s1 =	rddreg [dreg:$0x2];
	s2 =	srdreg.scid;
	s3 =	simm.s32 $0x0  }
0x4: {  	s28 =	simm.s32 $0x4000;
	s29 =	simm.s32 $0x1;
	s30 =	simm.s32 $0x80  }
0x5: {  	s31 =	simm.s32 $0x8000;
	s6 =	sand.u32 $0x1, s2;
	[smem:$0x7FF] =	sst s3  }
0x6: {  	s2 =	stileid.u32;
	s5 =	sshll.u32 s6, $0x4;
	_ =	strace $0x80000047  }
0x7: {  	s8 =	sshll.u32 s2, $0xA;
	s9 =	ssub.s32 $0x2, s6;
	s21 =	sshll.u32 s2, $0xD  }
0x8: {  	s6 =	sshll.u32 s6, $0xE;
	s7 =	sor.u32 s2, s5;
	s20 =	sshrl.u32 s9, $0x1  }
0x9: {  	s8 =	sadd.s32 s8, s4;
	s5 =	sshll.u32 s7, $0x9;
	s9 =	ssub.s32 s9, s20  }
0xa: {  	s10 =	sshll.u32 s7, $0xF;
	s6 =	sadd.s32 s6, s8;
	p0 =	seq.s32 s7, $0x1F  }
0xb: {  	p1 =	sgt.u32 s7, $0x1D;
	s7 =	simm.s32 $0x0;
	s5 =	sadd.s32 s5, s4  }
0xc: {  	s4 =	sadd.s32 s21, s1;
	s19 =	sadd.s32 s10, s0;
	s0 =	sadd.s32 $0x186800, s0  }
0xd: {  	s21 =	simm.s32 $0x5;
	s5 =	sadd.s32 $0x1000, s5;
	s10 =	sadd.s32 $0x90000, s19  }
0xe: {  	s22 =	sadd.s32 $0x90800, s19;
	s23 =	sadd.s32 $0x91000, s19;
	s24 =	sadd.s32 $0x91800, s19  }
0xf: {  	s11 =	sadd.s32 $0x92800, s19;
	s12 =	sadd.s32 $0x93000, s19;
	[dreg:$0xa] =	wrdreg s0  }
0x10: {  	s13 =	sadd.s32 $0x93800, s19;
	s14 =	sadd.s32 $0x94000, s19;
	[dreg:$0x4] =	wrdreg s10  }
0x11: {  	s15 =	sadd.s32 $0x94800, s19;
	s16 =	sadd.s32 $0x95000, s19;
	[dreg:$0x5] =	wrdreg s22  }
0x12: {  	s17 =	sadd.s32 $0x95800, s19;
	s18 =	sadd.s32 $0x96000, s19;
	[dreg:$0x6] =	wrdreg s23  }
0x13: {  	s20 =	sadd.s32 $0x96800, s19;
	s25 =	sadd.s32 $0x97000, s19;
	[dreg:$0x7] =	wrdreg s24  }
.Ltmp0:
0x14: {  	s26 =	sadd.s32 $0x97800, s19;
	[dreg:$0x8] =	wrdreg s20;
	(pc) =	sbr.rel .LBB2_1-.Ltmp0, $4  }
0x15: {  	s0 =	simm.s32 $0x2;
	s10 =	sadd.s32 $0x92000, s19;
	[dreg:$0x9] =	wrdreg s25  }
0x16: {  	[dreg:$0xb] =	wrdreg s26;
	s23 =	sadd.s32 $0x5000, s6;
	s24 =	smax.u32 s9, $0x1  }
0x17: {  	s25 =	simm.s32 $0x7;
	s26 =	simm.s32 $0x10000;
	s19 =	simm.s32 $0xC000  }
0x18: {  	v0 =	vimm.f32 $0.0e+00;
	s20 =	simm.s32 $0x3;
	s22 =	simm.s32 $0x4;
	s6 =	simm.s32 $0x6  }
.LBB2_5:
0x19: {  	s8 =	rddreg [dreg:$0x8]  }
0x1a: {  	[tilespmem:s28], [sflag:$0x2] =	stream.linear.gather [hbm4b:s8+s3], $0x4000, $0x38;
	[tilespmem:$0x13000] =	vst v63  }
0x1b: {  	_ =	swait.ge [sflag:s29], $0x4000  }
0x1c: {  	[sflag:s29] =	ssyncset.done $0x0  }
0x1d: {  	s9 =	simm.s32 $0x10600;
	[sflag:s29] =	ssyncadd.s32 $0xFFFFC000  }
0x1e: {  	[spmem:s1] =	stream.indirect.scatter.add.f32 [tilespmem:s3], [sflag:$0x5], $0x80, s9, s30, $0xb8;
	[tilespmem:$0x13000] =	vst v63  }
0x1f: {  	_ =	swait.ge [sflag:s21], $0x4000  }
0x20: {  	[sflag:s21] =	ssyncset.done $0x0  }
0x21: {  	s9 =	rddreg [dreg:$0x9];
	[sflag:s21] =	ssyncadd.s32 $0xFFFFC000  }
0x22: {  	[tilespmem:s31], [sflag:$0x3] =	stream.linear.gather [hbm4b:s9+s3], $0x4000, $0x38;
	[tilespmem:$0x13000] =	vst v63  }
0x23: {  	_ =	swait.ge [sflag:s0], $0x4000  }
0x24: {  	[sflag:s0] =	ssyncset.done $0x0  }
0x25: {  	s8 =	simm.s32 $0x6;
	s9 =	simm.s32 $0x10680;
	[sflag:s0] =	ssyncadd.s32 $0xFFFFC000  }
0x26: {  	[spmem:s1] =	stream.indirect.scatter.add.f32 [tilespmem:s28], [sflag:$0x6], $0x80, s9, s30, $0xb8;
	[tilespmem:$0x13000] =	vst v63  }
0x27: {  	_ =	swait.ge [sflag:s8], $0x4000  }
0x28: {  	[sflag:s8] =	ssyncset.done $0x0  }
0x29: {  	s9 =	rddreg [dreg:$0xb];
	[sflag:s8] =	ssyncadd.s32 $0xFFFFC000  }
0x2a: {  	[tilespmem:s19], [sflag:$0x4] =	stream.linear.gather [hbm4b:s9+s3], $0x4000, $0x38;
	[tilespmem:$0x13000] =	vst v63  }
0x2b: {  	_ =	swait.ge [sflag:s20], $0x4000  }
0x2c: {  	[sflag:s20] =	ssyncset.done $0x0  }
0x2d: {  	s9 =	simm.s32 $0x10700;
	[sflag:s20] =	ssyncadd.s32 $0xFFFFC000  }
0x2e: {  	[spmem:s1] =	stream.indirect.scatter.add.f32 [tilespmem:s31], [sflag:$0x5], $0x80, s9, s30, $0xb8;
	[tilespmem:$0x13000] =	vst v63  }
0x2f: {  	_ =	swait.ge [sflag:s21], $0x4000  }
0x30: {  	[sflag:s21] =	ssyncset.done $0x0  }
0x31: {  	[sflag:s21] =	ssyncadd.s32 $0xFFFFC000  }
0x32: {  	_ =	swait.ge [sflag:s22], $0x4000  }
0x33: {  	[sflag:s22] =	ssyncset.done $0x0  }
0x34: {  	s9 =	simm.s32 $0x10780;
	[sflag:s22] =	ssyncadd.s32 $0xFFFFC000  }
0x35: {  	[spmem:s1] =	stream.indirect.scatter.add.f32 [tilespmem:s19], [sflag:$0x6], $0x80, s9, s30, $0xb8;
	[tilespmem:$0x13000] =	vst v63  }
0x36: {  	_ =	swait.ge [sflag:s8], $0x4000  }
0x37: {  	[sflag:s8] =	ssyncset.done $0x0  }
0x38: {  	[sflag:s8] =	ssyncadd.s32 $0xFFFFC000  }
0x39: {  	_ =	swait.ge [sflag:s21], $0x4000  }
0x3a: {  	[sflag:s21] =	ssyncset.done $0x0  }
0x3b: {  	[sflag:s21] =	ssyncadd.s32 $0xFFFFC000  }
.LBB2_9:
0x3c: {  	_ =	swait.ge [sflag:s8], $0x4000  }
0x3d: {  	[sflag:s8] =	ssyncset.done $0x0  }
0x3e: {  	[sflag:s8] =	ssyncadd.s32 $0xFFFFC000  }
.LBB2_10:
0x3f: {  	s7 =	sadd.s32 $0x1, s7  }
0x40: {  	s8 =	sshll.u32 s2, $0x6;
	[bflag:$0x0] =	sbarrier.arrive $0xFFFF;
	p2 =	sne.s32 s7, s24  }
.Ltmp1:
0x41: {  	s9 =	sshrl.u32 s4, $0x3;
	s8 =	sor.u32 $0x1C07, s8;
	(pc) =	sbr.rel @!p2 .LBB2_11-.Ltmp1, $4  }
0x42: {  	[hbm:s23], [sflag:s8] =	dma.local [spmem:s9], $0x400  }
0x43: {  	_ =	swait.ge [sflag:s25], $0x400  }
0x44: {  	[sflag:s25] =	ssyncset.done $0x0  }
0x45: {  	[sflag:s25] =	ssyncadd.s32 $0xFFFFFC00  }
.LBB2_1:
0x46: {  	s8 =	simm.s32 $0x0;
	s9 =	simm.s32 $0x200  }
.LBB2_2:
0x47: {  	p2 =	sne.s32 s9, $0x7E00;
	[tilespmem:s8+$0x70] =	vst v0  }
0x48: {  	[tilespmem:s8+$0x0] =	vst v0  }
0x49: {  	[tilespmem:s8+$0x10] =	vst v0  }
.Ltmp2:
0x4a: {  	[tilespmem:s8+$0x20] =	vst v0;
	(pc) =	sbr.rel @p2 .LBB2_2-.Ltmp2, $4  }
0x4b: {  	[tilespmem:s8+$0x30] =	vst v0  }
0x4c: {  	[tilespmem:s8+$0x40] =	vst v0  }
0x4d: {  	[tilespmem:s8+$0x50] =	vst v0  }
0x4e: {  	[tilespmem:s8+$0x60] =	vst v0;
	s8 =	sshra.s32 s9, $0x2;
	s9 =	sadd.s32 $0x200, s9  }
0x4f: {  	[tilespmem:s8+$0x70] =	vst v0  }
0x50: {  	[tilespmem:s8+$0x0] =	vst v0  }
0x51: {  	[tilespmem:s8+$0x10] =	vst v0  }
0x52: {  	[tilespmem:s8+$0x20] =	vst v0  }
0x53: {  	[tilespmem:s8+$0x30] =	vst v0  }
0x54: {  	[tilespmem:s8+$0x40] =	vst v0  }
0x55: {  	[tilespmem:s8+$0x50] =	vst v0  }
0x56: {  	[tilespmem:s8+$0x60] =	vst v0  }
0x57: {  	[spmem:s4] =	stream.linear.scatter [tilespmem:s3], [sflag:$0x7], $0x2000, $0x38;
	[tilespmem:$0x13000] =	vst v63  }
0x58: {  	_ =	swait.ge [sflag:s25], $0x2000  }
0x59: {  	[sflag:s25] =	ssyncset.done $0x0  }
0x5a: {  	[sflag:s25] =	ssyncadd.s32 $0xFFFFE000  }
.Ltmp3:
0x5b: {  	[bflag:$0x0] =	sbarrier.arrive $0xFFFF;
	(pc) =	sbr.rel @p0 .LBB2_10-.Ltmp3, $4  }
0x5c: {  	[tilespmem:s26], [sflag:$0x7] =	stream.linear.gather [hbm4b:s5+s3], $0x1000, $0x38;
	[tilespmem:$0x13000] =	vst v63  }
0x5d: {  	_ =	swait.ge [sflag:s25], $0x1000  }
0x5e: {  	[sflag:s25] =	ssyncset.done $0x0  }
0x5f: {  	[sflag:s25] =	ssyncadd.s32 $0xFFFFF000  }
0x60: {  	s8 =	rddreg [dreg:$0x4]  }
0x61: {  	[tilespmem:s3], [sflag:$0x1] =	stream.linear.gather [hbm4b:s8+s3], $0x4000, $0x38;
	[tilespmem:$0x13000] =	vst v63  }
0x62: {  	s9 =	rddreg [dreg:$0x5]  }
0x63: {  	[tilespmem:s28], [sflag:$0x2] =	stream.linear.gather [hbm4b:s9+s3], $0x4000, $0x38;
	[tilespmem:$0x13000] =	vst v63  }
0x64: {  	_ =	swait.ge [sflag:s29], $0x4000  }
0x65: {  	[sflag:s29] =	ssyncset.done $0x0  }
0x66: {  	[sflag:s29] =	ssyncadd.s32 $0xFFFFC000  }
0x67: {  	[spmem:s1] =	stream.indirect.scatter.add.f32 [tilespmem:s3], [sflag:$0x5], $0x80, s26, s30, $0xb8;
	[tilespmem:$0x13000] =	vst v63  }
0x68: {  	s9 =	rddreg [dreg:$0x6]  }
0x69: {  	[tilespmem:s31], [sflag:$0x3] =	stream.linear.gather [hbm4b:s9+s3], $0x4000, $0x38;
	[tilespmem:$0x13000] =	vst v63  }
0x6a: {  	_ =	swait.ge [sflag:s0], $0x4000  }
0x6b: {  	[sflag:s0] =	ssyncset.done $0x0  }
0x6c: {  	s9 =	simm.s32 $0x10080;
	[sflag:s0] =	ssyncadd.s32 $0xFFFFC000  }
0x6d: {  	[spmem:s1] =	stream.indirect.scatter.add.f32 [tilespmem:s28], [sflag:$0x6], $0x80, s9, s30, $0xb8;
	[tilespmem:$0x13000] =	vst v63  }
0x6e: {  	s9 =	rddreg [dreg:$0x7]  }
0x6f: {  	[tilespmem:s19], [sflag:$0x4] =	stream.linear.gather [hbm4b:s9+s3], $0x4000, $0x38;
	[tilespmem:$0x13000] =	vst v63  }
0x70: {  	_ =	swait.ge [sflag:s20], $0x4000  }
0x71: {  	[sflag:s20] =	ssyncset.done $0x0  }
0x72: {  	s9 =	simm.s32 $0x10100;
	[sflag:s20] =	ssyncadd.s32 $0xFFFFC000  }
0x73: {  	[spmem:s1] =	stream.indirect.scatter.add.f32 [tilespmem:s31], [sflag:$0x5], $0x80, s9, s30, $0xb8;
	[tilespmem:$0x13000] =	vst v63  }
0x74: {  	_ =	swait.ge [sflag:s21], $0x4000  }
0x75: {  	[sflag:s21] =	ssyncset.done $0x0  }
0x76: {  	[sflag:s21] =	ssyncadd.s32 $0xFFFFC000  }
0x77: {  	[tilespmem:s3], [sflag:$0x1] =	stream.linear.gather [hbm4b:s10+s3], $0x4000, $0x38;
	[tilespmem:$0x13000] =	vst v63  }
0x78: {  	_ =	swait.ge [sflag:s22], $0x4000  }
0x79: {  	[sflag:s22] =	ssyncset.done $0x0  }
0x7a: {  	s9 =	simm.s32 $0x10180;
	[sflag:s22] =	ssyncadd.s32 $0xFFFFC000  }
0x7b: {  	[spmem:s1] =	stream.indirect.scatter.add.f32 [tilespmem:s19], [sflag:$0x6], $0x80, s9, s30, $0xb8;
	[tilespmem:$0x13000] =	vst v63  }
0x7c: {  	_ =	swait.ge [sflag:s6], $0x4000  }
0x7d: {  	[sflag:s6] =	ssyncset.done $0x0  }
0x7e: {  	[sflag:s6] =	ssyncadd.s32 $0xFFFFC000  }
0x7f: {  	[tilespmem:s28], [sflag:$0x2] =	stream.linear.gather [hbm4b:s11+s3], $0x4000, $0x38;
	[tilespmem:$0x13000] =	vst v63  }
0x80: {  	_ =	swait.ge [sflag:s29], $0x4000  }
0x81: {  	[sflag:s29] =	ssyncset.done $0x0  }
0x82: {  	s9 =	simm.s32 $0x10200;
	[sflag:s29] =	ssyncadd.s32 $0xFFFFC000  }
0x83: {  	[spmem:s1] =	stream.indirect.scatter.add.f32 [tilespmem:s3], [sflag:$0x5], $0x80, s9, s30, $0xb8;
	[tilespmem:$0x13000] =	vst v63  }
0x84: {  	_ =	swait.ge [sflag:s21], $0x4000  }
0x85: {  	[sflag:s21] =	ssyncset.done $0x0  }
0x86: {  	[sflag:s21] =	ssyncadd.s32 $0xFFFFC000  }
0x87: {  	[tilespmem:s31], [sflag:$0x3] =	stream.linear.gather [hbm4b:s12+s3], $0x4000, $0x38;
	[tilespmem:$0x13000] =	vst v63  }
0x88: {  	_ =	swait.ge [sflag:s0], $0x4000  }
0x89: {  	[sflag:s0] =	ssyncset.done $0x0  }
0x8a: {  	s9 =	simm.s32 $0x10280;
	[sflag:s0] =	ssyncadd.s32 $0xFFFFC000  }
0x8b: {  	[spmem:s1] =	stream.indirect.scatter.add.f32 [tilespmem:s28], [sflag:$0x6], $0x80, s9, s30, $0xb8;
	[tilespmem:$0x13000] =	vst v63  }
0x8c: {  	_ =	swait.ge [sflag:s6], $0x4000  }
0x8d: {  	[sflag:s6] =	ssyncset.done $0x0  }
0x8e: {  	[sflag:s6] =	ssyncadd.s32 $0xFFFFC000  }
0x8f: {  	[tilespmem:s19], [sflag:$0x4] =	stream.linear.gather [hbm4b:s13+s3], $0x4000, $0x38;
	[tilespmem:$0x13000] =	vst v63  }
0x90: {  	_ =	swait.ge [sflag:s20], $0x4000  }
0x91: {  	[sflag:s20] =	ssyncset.done $0x0  }
0x92: {  	s9 =	simm.s32 $0x10300;
	[sflag:s20] =	ssyncadd.s32 $0xFFFFC000  }
0x93: {  	[spmem:s1] =	stream.indirect.scatter.add.f32 [tilespmem:s31], [sflag:$0x5], $0x80, s9, s30, $0xb8;
	[tilespmem:$0x13000] =	vst v63  }
0x94: {  	_ =	swait.ge [sflag:s21], $0x4000  }
0x95: {  	[sflag:s21] =	ssyncset.done $0x0  }
0x96: {  	[sflag:s21] =	ssyncadd.s32 $0xFFFFC000  }
0x97: {  	[tilespmem:s3], [sflag:$0x1] =	stream.linear.gather [hbm4b:s14+s3], $0x4000, $0x38;
	[tilespmem:$0x13000] =	vst v63  }
0x98: {  	_ =	swait.ge [sflag:s22], $0x4000  }
0x99: {  	[sflag:s22] =	ssyncset.done $0x0  }
0x9a: {  	s9 =	simm.s32 $0x10380;
	[sflag:s22] =	ssyncadd.s32 $0xFFFFC000  }
0x9b: {  	[spmem:s1] =	stream.indirect.scatter.add.f32 [tilespmem:s19], [sflag:$0x6], $0x80, s9, s30, $0xb8;
	[tilespmem:$0x13000] =	vst v63  }
0x9c: {  	_ =	swait.ge [sflag:s6], $0x4000  }
0x9d: {  	[sflag:s6] =	ssyncset.done $0x0  }
0x9e: {  	[sflag:s6] =	ssyncadd.s32 $0xFFFFC000  }
0x9f: {  	[tilespmem:s28], [sflag:$0x2] =	stream.linear.gather [hbm4b:s15+s3], $0x4000, $0x38;
	[tilespmem:$0x13000] =	vst v63  }
0xa0: {  	_ =	swait.ge [sflag:s29], $0x4000  }
0xa1: {  	[sflag:s29] =	ssyncset.done $0x0  }
0xa2: {  	s9 =	simm.s32 $0x10400;
	[sflag:s29] =	ssyncadd.s32 $0xFFFFC000  }
0xa3: {  	[spmem:s1] =	stream.indirect.scatter.add.f32 [tilespmem:s3], [sflag:$0x5], $0x80, s9, s30, $0xb8;
	[tilespmem:$0x13000] =	vst v63  }
0xa4: {  	_ =	swait.ge [sflag:s21], $0x4000  }
0xa5: {  	[sflag:s21] =	ssyncset.done $0x0  }
0xa6: {  	[sflag:s21] =	ssyncadd.s32 $0xFFFFC000  }
0xa7: {  	[tilespmem:s31], [sflag:$0x3] =	stream.linear.gather [hbm4b:s16+s3], $0x4000, $0x38;
	[tilespmem:$0x13000] =	vst v63  }
0xa8: {  	_ =	swait.ge [sflag:s0], $0x4000  }
0xa9: {  	[sflag:s0] =	ssyncset.done $0x0  }
0xaa: {  	s9 =	simm.s32 $0x10480;
	[sflag:s0] =	ssyncadd.s32 $0xFFFFC000  }
0xab: {  	[spmem:s1] =	stream.indirect.scatter.add.f32 [tilespmem:s28], [sflag:$0x6], $0x80, s9, s30, $0xb8;
	[tilespmem:$0x13000] =	vst v63  }
0xac: {  	_ =	swait.ge [sflag:s6], $0x4000  }
0xad: {  	[sflag:s6] =	ssyncset.done $0x0  }
0xae: {  	[sflag:s6] =	ssyncadd.s32 $0xFFFFC000  }
0xaf: {  	[tilespmem:s19], [sflag:$0x4] =	stream.linear.gather [hbm4b:s17+s3], $0x4000, $0x38;
	[tilespmem:$0x13000] =	vst v63  }
0xb0: {  	_ =	swait.ge [sflag:s20], $0x4000  }
0xb1: {  	[sflag:s20] =	ssyncset.done $0x0  }
0xb2: {  	s9 =	simm.s32 $0x10500;
	[sflag:s20] =	ssyncadd.s32 $0xFFFFC000  }
0xb3: {  	[spmem:s1] =	stream.indirect.scatter.add.f32 [tilespmem:s31], [sflag:$0x5], $0x80, s9, s30, $0xb8;
	[tilespmem:$0x13000] =	vst v63  }
0xb4: {  	_ =	swait.ge [sflag:s21], $0x4000  }
0xb5: {  	[sflag:s21] =	ssyncset.done $0x0  }
0xb6: {  	[sflag:s21] =	ssyncadd.s32 $0xFFFFC000  }
0xb7: {  	[tilespmem:s3], [sflag:$0x1] =	stream.linear.gather [hbm4b:s18+s3], $0x4000, $0x38;
	[tilespmem:$0x13000] =	vst v63  }
0xb8: {  	_ =	swait.ge [sflag:s22], $0x4000  }
0xb9: {  	[sflag:s22] =	ssyncset.done $0x0  }
.Ltmp4:
0xba: {  	s9 =	simm.s32 $0x10580;
	[sflag:s22] =	ssyncadd.s32 $0xFFFFC000;
	(pc) =	sbr.rel @!p1 .LBB2_5-.Ltmp4, $4  }
0xbb: {  	[spmem:s1] =	stream.indirect.scatter.add.f32 [tilespmem:s19], [sflag:$0x6], $0x80, s9, s30, $0xb8;
	[tilespmem:$0x13000] =	vst v63  }
0xbc: {  	_ =	swait.ge [sflag:s6], $0x4000  }
0xbd: {  	[sflag:s6] =	ssyncset.done $0x0  }
0xbe: {  	[sflag:s6] =	ssyncadd.s32 $0xFFFFC000  }
0xbf: {  	_ =	swait.ge [sflag:s29], $0x4000  }
0xc0: {  	[sflag:s29] =	ssyncset.done $0x0  }
0xc1: {  	s8 =	simm.s32 $0x0;
	s9 =	simm.s32 $0x10600;
	[sflag:s29] =	ssyncadd.s32 $0xFFFFC000  }
0xc2: {  	[spmem:s1] =	stream.indirect.scatter.add.f32 [tilespmem:s8], [sflag:$0x5], $0x80, s9, s30, $0xb8;
	[tilespmem:$0x13000] =	vst v63  }
0xc3: {  	_ =	swait.ge [sflag:s21], $0x4000  }
0xc4: {  	[sflag:s21] =	ssyncset.done $0x0  }
0xc5: {  	[sflag:s21] =	ssyncadd.s32 $0xFFFFC000  }
0xc6: {  	_ =	swait.ge [sflag:s6], $0x4000  }
0xc7: {  	[sflag:s6] =	ssyncset.done $0x0  }
0xc8: {  	[sflag:s6] =	ssyncadd.s32 $0xFFFFC000  }
0xc9: {  	_ =	swait.ge [sflag:s21], $0x4000  }
0xca: {  	[sflag:s21] =	ssyncset.done $0x0  }
0xcb: {  	s8 =	simm.s32 $0x0;
	s9 =	simm.s32 $0x200;
	[sflag:s21] =	ssyncadd.s32 $0xFFFFC000  }
.LBB2_7:
0xcc: {  	p2 =	sne.s32 s9, $0xBE00;
	[tilespmem:s8+$0x1070] =	vst v0  }
0xcd: {  	[tilespmem:s8+$0x1000] =	vst v0  }
0xce: {  	[tilespmem:s8+$0x1010] =	vst v0  }
.Ltmp5:
0xcf: {  	[tilespmem:s8+$0x1020] =	vst v0;
	(pc) =	sbr.rel @p2 .LBB2_7-.Ltmp5, $4  }
0xd0: {  	[tilespmem:s8+$0x1030] =	vst v0  }
0xd1: {  	[tilespmem:s8+$0x1040] =	vst v0  }
0xd2: {  	[tilespmem:s8+$0x1050] =	vst v0  }
0xd3: {  	[tilespmem:s8+$0x1060] =	vst v0;
	s8 =	sshra.s32 s9, $0x2;
	s9 =	sadd.s32 $0x200, s9  }
0xd4: {  	[tilespmem:s8+$0x1070] =	vst v0  }
0xd5: {  	[tilespmem:s8+$0x1000] =	vst v0  }
0xd6: {  	[tilespmem:s8+$0x1010] =	vst v0  }
0xd7: {  	[tilespmem:s8+$0x1020] =	vst v0  }
0xd8: {  	[tilespmem:s8+$0x1030] =	vst v0  }
0xd9: {  	[tilespmem:s8+$0x1040] =	vst v0  }
0xda: {  	[tilespmem:s8+$0x1050] =	vst v0  }
0xdb: {  	[tilespmem:s8+$0x1060] =	vst v0;
	s9 =	rddreg [dreg:$0xa]  }
0xdc: {  	[tilespmem:s3], [sflag:$0x7] =	stream.linear.gather [hbm4b:s9+s3], $0x1000, $0x38;
	[tilespmem:$0x13000] =	vst v63  }
.Ltmp6:
0xdd: {  	s8 =	simm.s32 $0x7;
	(pc) =	sbr.rel .LBB2_9-.Ltmp6, $4  }
0xde: {  	_ =	swait.ge [sflag:s8], $0x1000  }
0xdf: {  	[sflag:s8] =	ssyncset.done $0x0  }
0xe0: {  	s9 =	simm.s32 $0x10680;
	[sflag:s8] =	ssyncadd.s32 $0xFFFFF000  }
0xe1: {  	[spmem:s1] =	stream.indirect.scatter.add.f32 [tilespmem:s3], [sflag:$0x7], $0x80, s9, s30, $0xb8;
	[tilespmem:$0x13000] =	vst v63  }
.LBB2_11:
0xe2: {  	_ =	sfence.sel $0x180000  }
0xe3: {  	[bflag:$0x0] =	sbarrier.arrive $0xFFFF  }
0xe4: {  	_ =	strace $0x90000047  }
0xe5: {  	[bflag:$0x2] =	sbarrier.arrive $0xFFFF  }
0xe6: {  	p0 =	sne.s32 s2, $0x0;
	s0 =	rddreg [dreg:$0x3]  }
0xe7: {  	s0 =	sadd.s32 @!p0 $0x100000, s0  }
0xe8: {  	[sflag:s0] =	ssyncadd.tile.s32 @!p0 $0x1;
	_ =	shalt  }
.Lfunc_end2:
_tile_overlayer_lowered:
.L_overlay_start_2:
0xe9: {  	(tag) =	ssettag $0x2  }
0xea: {  	s0 =	rddreg [dreg:$0x0];
	s2 =	stileid.u32  }
0xeb: {  	s1 =	rddreg [dreg:$0x1];
	p0 =	sne.s32 s2, $0x0  }
0xec: {  	s3 =	rddreg [dreg:$0x2];
	[bflag:$0x3] =	sbarrier.arrive $0xFFFF;
	s2 =	simm.s32 @!p0 $0x1C07  }
0xed: {  	[timem:s3], [sflag:s2] =	dma.local @!p0 [hbm:s0], s1  }
0xee: {  	s0 =	simm.s32 @!p0 $0x7  }
0xef: {  	_ =	swait.ge @!p0 [sflag:s0], s1  }
0xf0: {  	s1 =	ssub.s32 @!p0 $0x0, s1;
	[sflag:s0] =	ssyncset.done @!p0 $0x0  }
0xf1: {  	[sflag:s0] =	ssyncadd.s32 @!p0 s1  }
0xf2: {  	[bflag:$0x3] =	sbarrier.arrive $0xFFFF  }
0xf3: {  	_ =	shalt  }

</sc_bundles>
